<compile_context>
chip_gen: v7x
topology: tpu7x:2x2x1
jax: 0.10.2.dev20260603
libtpu: 0.0.44.dev20260713+nightly
codegen_flags: <defaults>
</compile_context>

<pallas_src>
import functools

import jax
import jax.numpy as jnp
from jax import lax
from jax.experimental import pallas as pl
from jax.experimental.pallas import tpu as pltpu
from jax.experimental.pallas import tpu_sc as plsc

T = 256
D_IN = 2048
D_OUT = 2048
E = 8
TM = 32
SORT = 512
TN = 512
N_TILES = D_OUT // TN

_SC_CORES = 2
_SC_SUBCORES = 16


def _route_body(x_ref, gw_ref, gb_ref, aux_ref, pos_ref, src_ref, nsub_ref,
                offs_ref):
    logits = lax.dot_general(
        x_ref[...], gw_ref[...], (((1,), (1,)), ((), ())),
        preferred_element_type=jnp.float32,
    ) + gb_ref[...]
    m = jnp.max(logits, axis=1, keepdims=True)
    unn = jnp.exp(logits - m)
    p = unn / jnp.sum(unn, axis=1, keepdims=True)
    mean_gate = jnp.mean(p, axis=0, keepdims=True)
    aux_ref[...] = jnp.mean((mean_gate * E) ** 2, axis=1, keepdims=True)

    lane = lax.broadcasted_iota(jnp.int32, (T, E), 1)
    is_max = p == jnp.max(p, axis=1, keepdims=True)
    top1 = jnp.min(jnp.where(is_max, lane, E), axis=1, keepdims=True)
    oh = (lane == top1).astype(jnp.float32)

    counts = jnp.sum(oh, axis=0, keepdims=True)
    pc = jnp.ceil(counts / TM) * TM
    re8 = lax.broadcasted_iota(jnp.int32, (E, E), 0)
    ce8 = lax.broadcasted_iota(jnp.int32, (E, E), 1)
    pc_col = jnp.sum(jnp.where(re8 == ce8, pc, 0.0), axis=1, keepdims=True)
    offs = jnp.sum(jnp.where(re8 < ce8, pc_col, 0.0), axis=0, keepdims=True)

    rt = lax.broadcasted_iota(jnp.int32, (T, T), 0)
    ct = lax.broadcasted_iota(jnp.int32, (T, T), 1)
    tril = (rt >= ct).astype(jnp.float32)
    P = lax.dot_general(tril, oh, (((1,), (0,)), ((), ())),
                        preferred_element_type=jnp.float32)
    rank = jnp.sum(P * oh, axis=1, keepdims=True) - 1.0
    pos = jnp.sum(oh * offs, axis=1, keepdims=True) + rank

    eye_t = (rt == ct)
    pos_ref[...] = jnp.sum(jnp.where(eye_t, pos, 0.0), axis=0,
                           keepdims=True).astype(jnp.int32)
    pos_i = pos.astype(jnp.int32)
    rs = lax.broadcasted_iota(jnp.int32, (T, SORT), 1)
    ts = lax.broadcasted_iota(jnp.int32, (T, SORT), 0)
    src_ref[...] = jnp.sum(jnp.where(pos_i == rs, ts, 0), axis=0,
                           keepdims=True)
    nsub_ref[...] = (pc / TM).astype(jnp.int32)
    offs_ref[...] = offs.astype(jnp.int32)


def _route(x, gate_W, gate_b):
    return pl.pallas_call(
        _route_body,
        out_shape=[
            jax.ShapeDtypeStruct((1, 1), jnp.float32),
            jax.ShapeDtypeStruct((1, T), jnp.int32),
            jax.ShapeDtypeStruct((1, SORT), jnp.int32),
            jax.ShapeDtypeStruct((1, E), jnp.int32),
            jax.ShapeDtypeStruct((1, E), jnp.int32),
        ],
    )(x, gate_W, gate_b.reshape(1, E))


def _sc_gather_rows(table, idx):
    B = idx.shape[0]
    D = table.shape[1]
    nw = _SC_CORES * _SC_SUBCORES
    bpw = B // nw
    mesh = plsc.VectorSubcoreMesh(
        core_axis_name="c", subcore_axis_name="s", num_cores=_SC_CORES,
        num_subcores=_SC_SUBCORES)

    @functools.partial(
        pl.kernel, mesh=mesh,
        out_type=jax.ShapeDtypeStruct((B, D), table.dtype),
        scratch_types=[
            pltpu.VMEM((bpw,), jnp.int32),
            pltpu.VMEM((bpw, D), table.dtype),
            pltpu.SemaphoreType.DMA,
        ],
    )
    def k(tab_hbm, idx_hbm, out_hbm, idx_v, rows_v, sem):
        wid = lax.axis_index("s") * _SC_CORES + lax.axis_index("c")
        base = wid * bpw
        pltpu.sync_copy(idx_hbm.at[pl.ds(base, bpw)], idx_v)
        pltpu.async_copy(tab_hbm.at[idx_v], rows_v, sem).wait()
        pltpu.sync_copy(rows_v, out_hbm.at[pl.ds(base, bpw)])

    return k(table, idx)


def _gmm_body(ns_ref, of_ref, xg_ref, w_ref, b_ref, out_ref):
    e = pl.program_id(1)
    k = ns_ref[e]
    off = of_ref[e]

    def body(i, _):
        r0 = pl.multiple_of(off + i * TM, TM)
        xs = xg_ref[pl.ds(r0, TM), :]
        acc = lax.dot_general(xs, w_ref[0], (((1,), (1,)), ((), ())),
                              preferred_element_type=jnp.float32)
        out_ref[pl.ds(r0, TM), :] = acc + b_ref[0]
        return 0

    lax.fori_loop(0, k, body, 0)


def _gmm(x_sorted, W, b, nsub, offs):
    grid_spec = pltpu.PrefetchScalarGridSpec(
        num_scalar_prefetch=2,
        grid=(N_TILES, E),
        in_specs=[
            pl.BlockSpec((SORT, D_IN), lambda n, e, *_: (0, 0)),
            pl.BlockSpec((1, TN, D_IN), lambda n, e, *_: (e, n, 0)),
            pl.BlockSpec((1, 1, TN), lambda n, e, *_: (e, 0, n)),
        ],
        out_specs=pl.BlockSpec((SORT, TN), lambda n, e, *_: (0, n)),
    )
    return pl.pallas_call(
        _gmm_body,
        grid_spec=grid_spec,
        out_shape=jax.ShapeDtypeStruct((SORT, D_OUT), jnp.float32),
    )(nsub, offs, x_sorted, W, b.reshape(E, 1, D_OUT))


def kernel(x, gate_W, gate_b, W, b):
    aux, pos, src, nsub, offs = _route(x, gate_W, gate_b)
    x_sorted = _sc_gather_rows(x, src.reshape(SORT))
    out_sorted = _gmm(x_sorted, W, b, nsub.reshape(E), offs.reshape(E))
    out = _sc_gather_rows(out_sorted, pos.reshape(T))
    return out, aux[0, 0]

# --- scband reference (transcript-rebuilt; emitter-appended) ---
"""Pipeline reference for scband-switch-linear-7404523618415 (READ-ONLY COPY).

The authoritative reference and input builder live on the scoring server;
editing this copy changes nothing except your own understanding.
"""

import jax, jax.numpy as jnp
import numpy as np

T = 256
D_IN = 2048
D_OUT = 2048
E = 8


def setup_inputs(seed: int = 0) -> dict:
    key = jax.random.key(seed)
    ks = jax.random.split(key, 6)
    x = jax.random.normal(ks[0], (T, D_IN), dtype=jnp.float32)
    s = 1.0 / np.sqrt(D_IN)
    gate_W = jax.random.uniform(ks[1], (E, D_IN), jnp.float32, -s, s)
    gate_b = jax.random.uniform(ks[2], (E,), jnp.float32, -s, s)
    W = jax.random.uniform(ks[3], (E, D_OUT, D_IN), jnp.float32, -s, s)
    b = jax.random.uniform(ks[4], (E, D_OUT), jnp.float32, -s, s)
    return {"x": x, "gate_W": gate_W, "gate_b": gate_b, "W": W, "b": b}


def reference(x, gate_W, gate_b, W, b):
    # gate
    gate_logits = x @ gate_W.T + gate_b
    gate = jax.nn.softmax(gate_logits, axis=-1)
    top1 = jnp.argmax(gate, axis=-1)
    one_hot = jax.nn.one_hot(top1, E, dtype=x.dtype)
    # all-expert dense compute: expert_outs[t, o, e]
    expert_outs = jnp.einsum('td,eod->toe', x, W) + b.T[None, :, :]
    out = (expert_outs * one_hot[:, None, :]).sum(-1)
    # aux load-balancing loss
    mean_gate = gate.mean(axis=0)
    aux_loss = ((mean_gate * E) ** 2).mean()
    return (out, aux_loss)

if __name__ == "__main__":
    import jax
    _d = setup_inputs()
    print(jax.jit(kernel)(*tuple(_d.values())))

</pallas_src>

<mosaic_0001>
#map = affine_map<(d0, d1) -> (0, 0)>
#map1 = affine_map<(d0, d1) -> (0)>
module attributes {stable_mosaic.version = 14 : i64} {
  func.func @k(%arg0: i32, %arg1: i32, %arg2: memref<512x2048xf32, #tpu.memory_space<hbm>>, %arg3: memref<256xi32, #tpu.memory_space<hbm>>, %arg4: memref<256x2048xf32, #tpu.memory_space<hbm>>, %arg5: memref<8xi32, #tpu.memory_space<vmem>>, %arg6: memref<8x2048xf32, #tpu.memory_space<vmem>>, %arg7: memref<!tpu.dma_semaphore, #tpu.memory_space<semaphore_mem>>) attributes {dimension_semantics = [#tpu.dimension_semantics<core_parallel>, #tpu.dimension_semantics<subcore_parallel>], iteration_bounds = array<i64: 2, 16>, scalar_prefetch = 0 : i64, scratch_operands = 3 : i64, tpu.core_type = #tpu.core_type<sc_vector_subcore>, window_params = [{transform_indices = #map}, {transform_indices = #map1}, {transform_indices = #map}]} {
    %mul3A = arith.constant 2 : i32
    %mul3A_0 = arith.muli %arg1, %mul3A : i32
    %add3A = arith.addi %mul3A_0, %arg0 : i32
    %mul3A_1 = arith.constant 8 : i32
    %mul3A_2 = arith.muli %add3A, %mul3A_1 : i32
    "tpu.region"() ({
      %run_scoped3A = tpu.sem_alloc : memref<!tpu.dma_semaphore, #tpu.memory_space<semaphore_mem>>
      %dma_start3A_7 = tpu.memref_slice %arg3[%mul3A_2] : memref<256xi32, #tpu.memory_space<hbm>> -> memref<8xi32, #tpu.memory_space<hbm>>
      %dma_start3A_8 = tpu.memref_slice %arg3[%mul3A_2] : memref<256xi32, #tpu.memory_space<hbm>> -> memref<8xi32, #tpu.memory_space<hbm>>
      tpu.enqueue_dma source(%dma_start3A_8 : memref<8xi32, #tpu.memory_space<hbm>>) target(%arg5 : memref<8xi32, #tpu.memory_space<vmem>>) target_semaphore(%run_scoped3A : memref<!tpu.dma_semaphore, #tpu.memory_space<semaphore_mem>>)
      %dma_wait3A_9 = tpu.memref_slice %arg3[%mul3A_2] : memref<256xi32, #tpu.memory_space<hbm>> -> memref<8xi32, #tpu.memory_space<hbm>>
      %dma_wait3A_10 = tpu.memref_slice %arg3[%mul3A_2] : memref<256xi32, #tpu.memory_space<hbm>> -> memref<8xi32, #tpu.memory_space<hbm>>
      tpu.wait_dma2 semaphore(%run_scoped3A : memref<!tpu.dma_semaphore, #tpu.memory_space<semaphore_mem>>) src(%dma_wait3A_10 : memref<8xi32, #tpu.memory_space<hbm>>) dst(%arg5 : memref<8xi32, #tpu.memory_space<vmem>>)
      tpu.yield
    }) : () -> ()
    %dma_start3A = arith.constant 0 : i32
    %dma_start3A_3 = arith.constant 0 : i32
    %dma_start3A_4 = tpu.memref_slice %arg2[%dma_start3A, %dma_start3A_3] : memref<512x2048xf32, #tpu.memory_space<hbm>> -> memref<512x2048xf32, #tpu.memory_space<hbm>>
    tpu.enqueue_indirect_dma source(%dma_start3A_4 : memref<512x2048xf32, #tpu.memory_space<hbm>>) target(%arg6 : memref<8x2048xf32, #tpu.memory_space<vmem>>) offsets(%arg5 : memref<8xi32, #tpu.memory_space<vmem>>) semaphore(%arg7 : memref<!tpu.dma_semaphore, #tpu.memory_space<semaphore_mem>>)
    %dma_wait3A = arith.constant 0 : i32
    %dma_wait3A_5 = arith.constant 0 : i32
    %dma_wait3A_6 = tpu.memref_slice %arg2[%dma_wait3A, %dma_wait3A_5] : memref<512x2048xf32, #tpu.memory_space<hbm>> -> memref<512x2048xf32, #tpu.memory_space<hbm>>
    tpu.wait_indirect_dma semaphore(%arg7 : memref<!tpu.dma_semaphore, #tpu.memory_space<semaphore_mem>>) src(%dma_wait3A_6 : memref<512x2048xf32, #tpu.memory_space<hbm>>) dst(%arg6 : memref<8x2048xf32, #tpu.memory_space<vmem>>)
    "tpu.region"() ({
      %run_scoped3A = tpu.sem_alloc : memref<!tpu.dma_semaphore, #tpu.memory_space<semaphore_mem>>
      %dma_start3A_7 = arith.constant 0 : i32
      %dma_start3A_8 = tpu.memref_slice %arg4[%mul3A_2, %dma_start3A_7] : memref<256x2048xf32, #tpu.memory_space<hbm>> -> memref<8x2048xf32, #tpu.memory_space<hbm>>
      %dma_start3A_9 = arith.constant 0 : i32
      %dma_start3A_10 = tpu.memref_slice %arg4[%mul3A_2, %dma_start3A_9] : memref<256x2048xf32, #tpu.memory_space<hbm>> -> memref<8x2048xf32, #tpu.memory_space<hbm>>
      tpu.enqueue_dma source(%arg6 : memref<8x2048xf32, #tpu.memory_space<vmem>>) target(%dma_start3A_10 : memref<8x2048xf32, #tpu.memory_space<hbm>>) target_semaphore(%run_scoped3A : memref<!tpu.dma_semaphore, #tpu.memory_space<semaphore_mem>>)
      %dma_wait3A_11 = arith.constant 0 : i32
      %dma_wait3A_12 = tpu.memref_slice %arg4[%mul3A_2, %dma_wait3A_11] : memref<256x2048xf32, #tpu.memory_space<hbm>> -> memref<8x2048xf32, #tpu.memory_space<hbm>>
      %dma_wait3A_13 = arith.constant 0 : i32
      %dma_wait3A_14 = tpu.memref_slice %arg4[%mul3A_2, %dma_wait3A_13] : memref<256x2048xf32, #tpu.memory_space<hbm>> -> memref<8x2048xf32, #tpu.memory_space<hbm>>
      tpu.wait_dma2 semaphore(%run_scoped3A : memref<!tpu.dma_semaphore, #tpu.memory_space<semaphore_mem>>) src(%arg6 : memref<8x2048xf32, #tpu.memory_space<vmem>>) dst(%dma_wait3A_14 : memref<8x2048xf32, #tpu.memory_space<hbm>>)
      tpu.yield
    }) : () -> ()
    return
  }
}

#map = affine_map<(d0, d1) -> (0, 0)>
#map1 = affine_map<(d0, d1) -> (0)>
module attributes {stable_mosaic.version = 14 : i64} {
  func.func @k(%arg0: i32, %arg1: i32, %arg2: memref<256x2048xf32, #tpu.memory_space<hbm>>, %arg3: memref<512xi32, #tpu.memory_space<hbm>>, %arg4: memref<512x2048xf32, #tpu.memory_space<hbm>>, %arg5: memref<16xi32, #tpu.memory_space<vmem>>, %arg6: memref<16x2048xf32, #tpu.memory_space<vmem>>, %arg7: memref<!tpu.dma_semaphore, #tpu.memory_space<semaphore_mem>>) attributes {dimension_semantics = [#tpu.dimension_semantics<core_parallel>, #tpu.dimension_semantics<subcore_parallel>], iteration_bounds = array<i64: 2, 16>, scalar_prefetch = 0 : i64, scratch_operands = 3 : i64, tpu.core_type = #tpu.core_type<sc_vector_subcore>, window_params = [{transform_indices = #map}, {transform_indices = #map1}, {transform_indices = #map}]} {
    %mul3A = arith.constant 2 : i32
    %mul3A_0 = arith.muli %arg1, %mul3A : i32
    %add3A = arith.addi %mul3A_0, %arg0 : i32
    %mul3A_1 = arith.constant 16 : i32
    %mul3A_2 = arith.muli %add3A, %mul3A_1 : i32
    "tpu.region"() ({
      %run_scoped3A = tpu.sem_alloc : memref<!tpu.dma_semaphore, #tpu.memory_space<semaphore_mem>>
      %dma_start3A_7 = tpu.memref_slice %arg3[%mul3A_2] : memref<512xi32, #tpu.memory_space<hbm>> -> memref<16xi32, #tpu.memory_space<hbm>>
      %dma_start3A_8 = tpu.memref_slice %arg3[%mul3A_2] : memref<512xi32, #tpu.memory_space<hbm>> -> memref<16xi32, #tpu.memory_space<hbm>>
      tpu.enqueue_dma source(%dma_start3A_8 : memref<16xi32, #tpu.memory_space<hbm>>) target(%arg5 : memref<16xi32, #tpu.memory_space<vmem>>) target_semaphore(%run_scoped3A : memref<!tpu.dma_semaphore, #tpu.memory_space<semaphore_mem>>)
      %dma_wait3A_9 = tpu.memref_slice %arg3[%mul3A_2] : memref<512xi32, #tpu.memory_space<hbm>> -> memref<16xi32, #tpu.memory_space<hbm>>
      %dma_wait3A_10 = tpu.memref_slice %arg3[%mul3A_2] : memref<512xi32, #tpu.memory_space<hbm>> -> memref<16xi32, #tpu.memory_space<hbm>>
      tpu.wait_dma2 semaphore(%run_scoped3A : memref<!tpu.dma_semaphore, #tpu.memory_space<semaphore_mem>>) src(%dma_wait3A_10 : memref<16xi32, #tpu.memory_space<hbm>>) dst(%arg5 : memref<16xi32, #tpu.memory_space<vmem>>)
      tpu.yield
    }) : () -> ()
    %dma_start3A = arith.constant 0 : i32
    %dma_start3A_3 = arith.constant 0 : i32
    %dma_start3A_4 = tpu.memref_slice %arg2[%dma_start3A, %dma_start3A_3] : memref<256x2048xf32, #tpu.memory_space<hbm>> -> memref<256x2048xf32, #tpu.memory_space<hbm>>
    tpu.enqueue_indirect_dma source(%dma_start3A_4 : memref<256x2048xf32, #tpu.memory_space<hbm>>) target(%arg6 : memref<16x2048xf32, #tpu.memory_space<vmem>>) offsets(%arg5 : memref<16xi32, #tpu.memory_space<vmem>>) semaphore(%arg7 : memref<!tpu.dma_semaphore, #tpu.memory_space<semaphore_mem>>)
    %dma_wait3A = arith.constant 0 : i32
    %dma_wait3A_5 = arith.constant 0 : i32
    %dma_wait3A_6 = tpu.memref_slice %arg2[%dma_wait3A, %dma_wait3A_5] : memref<256x2048xf32, #tpu.memory_space<hbm>> -> memref<256x2048xf32, #tpu.memory_space<hbm>>
    tpu.wait_indirect_dma semaphore(%arg7 : memref<!tpu.dma_semaphore, #tpu.memory_space<semaphore_mem>>) src(%dma_wait3A_6 : memref<256x2048xf32, #tpu.memory_space<hbm>>) dst(%arg6 : memref<16x2048xf32, #tpu.memory_space<vmem>>)
    "tpu.region"() ({
      %run_scoped3A = tpu.sem_alloc : memref<!tpu.dma_semaphore, #tpu.memory_space<semaphore_mem>>
      %dma_start3A_7 = arith.constant 0 : i32
      %dma_start3A_8 = tpu.memref_slice %arg4[%mul3A_2, %dma_start3A_7] : memref<512x2048xf32, #tpu.memory_space<hbm>> -> memref<16x2048xf32, #tpu.memory_space<hbm>>
      %dma_start3A_9 = arith.constant 0 : i32
      %dma_start3A_10 = tpu.memref_slice %arg4[%mul3A_2, %dma_start3A_9] : memref<512x2048xf32, #tpu.memory_space<hbm>> -> memref<16x2048xf32, #tpu.memory_space<hbm>>
      tpu.enqueue_dma source(%arg6 : memref<16x2048xf32, #tpu.memory_space<vmem>>) target(%dma_start3A_10 : memref<16x2048xf32, #tpu.memory_space<hbm>>) target_semaphore(%run_scoped3A : memref<!tpu.dma_semaphore, #tpu.memory_space<semaphore_mem>>)
      %dma_wait3A_11 = arith.constant 0 : i32
      %dma_wait3A_12 = tpu.memref_slice %arg4[%mul3A_2, %dma_wait3A_11] : memref<512x2048xf32, #tpu.memory_space<hbm>> -> memref<16x2048xf32, #tpu.memory_space<hbm>>
      %dma_wait3A_13 = arith.constant 0 : i32
      %dma_wait3A_14 = tpu.memref_slice %arg4[%mul3A_2, %dma_wait3A_13] : memref<512x2048xf32, #tpu.memory_space<hbm>> -> memref<16x2048xf32, #tpu.memory_space<hbm>>
      tpu.wait_dma2 semaphore(%run_scoped3A : memref<!tpu.dma_semaphore, #tpu.memory_space<semaphore_mem>>) src(%arg6 : memref<16x2048xf32, #tpu.memory_space<vmem>>) dst(%dma_wait3A_14 : memref<16x2048xf32, #tpu.memory_space<hbm>>)
      tpu.yield
    }) : () -> ()
    return
  }
}

module attributes {stable_mosaic.version = 14 : i64} {
  func.func @_gmm_body(%arg0: i32, %arg1: i32, %arg2: memref<8xi32, #tpu.memory_space<smem>>, %arg3: memref<8xi32, #tpu.memory_space<smem>>, %arg4: memref<512x2048xf32, #tpu.memory_space<vmem>>, %arg5: memref<1x512x2048xf32, #tpu.memory_space<vmem>>, %arg6: memref<1x1x512xf32, #tpu.memory_space<vmem>>, %arg7: memref<512x512xf32, #tpu.memory_space<vmem>>) attributes {dimension_semantics = [#tpu.dimension_semantics<arbitrary>, #tpu.dimension_semantics<arbitrary>], iteration_bounds = array<i64: 4, 8>, scalar_prefetch = 2 : i64, scratch_operands = 0 : i64, tpu.core_type = #tpu.core_type<tc>, window_params = [{pipeline_mode = #tpu.pipeline_mode<synchronous>, transform_indices = @transform_0, window_bounds = array<i64: 512, 2048>}, {transform_indices = @transform_1, window_bounds = array<i64: 1, 512, 2048>}, {transform_indices = @transform_2, window_bounds = array<i64: 1, 1, 512>}, {transform_indices = @transform_3, window_bounds = array<i64: 512, 512>}]} {
    %get3A = arith.index_cast %arg1 : i32 to index
    %get3A_0 = memref.load %arg2[%get3A] : memref<8xi32, #tpu.memory_space<smem>>
    %get3A_1 = arith.index_cast %arg1 : i32 to index
    %get3A_2 = memref.load %arg3[%get3A_1] : memref<8xi32, #tpu.memory_space<smem>>
    %while3A = arith.constant 0 : i32
    %while3A_3 = arith.constant 0 : i32
    %while3A_4 = arith.subi %get3A_0, %while3A : i32
    %while3A_5 = arith.addi %while3A, %while3A_4 : i32
    %while3A_6 = arith.constant 1 : i32
    %while3A_7 = arith.divsi %while3A_4, %while3A_6 : i32
    %while3A_8 = arith.muli %while3A_7, %while3A_6 : i32
    %while3A_9 = arith.addi %while3A, %while3A_8 : i32
    %while3A_10 = arith.constant 1 : i32
    %while3A_11 = scf.for %while3A_14 = %while3A to %while3A_9 step %while3A_10 iter_args(%while3A_15 = %while3A_3) -> (i32)  : i32 {
      %mul3A = arith.constant 32 : i32
      %mul3A_16 = arith.muli %while3A_14, %mul3A : i32
      %add3A = arith.addi %get3A_2, %mul3A_16 : i32
      %multiple_of3A = tpu.assume_multiple %add3A, 32 : i32
      %get3A_17 = arith.index_cast %multiple_of3A : i32 to index
      %get3A_18 = arith.constant 0 : index
      %get3A_19 = vector.load %arg4[%get3A_17, %get3A_18] : memref<512x2048xf32, #tpu.memory_space<vmem>>, vector<32x2048xf32>
      %get3A_20 = arith.constant 0 : index
      %get3A_21 = arith.constant 0 : index
      %get3A_22 = arith.constant 0 : index
      %get3A_23 = vector.load %arg5[%get3A_20, %get3A_21, %get3A_22] : memref<1x512x2048xf32, #tpu.memory_space<vmem>>, vector<1x512x2048xf32>
      %get3A_24 = vector.shape_cast %get3A_23 : vector<1x512x2048xf32> to vector<512x2048xf32>
      %dot_general3A = arith.constant dense<0.000000e+00> : vector<32x512xf32>
      %dot_general3A_25 = tpu.matmul %get3A_19, %get3A_24, %dot_general3A {dimension_numbers = #tpu.dot_dimension_numbers<[1], [1], [0], [0], [0, 0, 1, 0], [], []>, transpose_lhs_hint = false} : vector<32x2048xf32>, vector<512x2048xf32>, vector<32x512xf32> -> vector<32x512xf32>
      %get3A_26 = arith.constant 0 : index
      %get3A_27 = arith.constant 0 : index
      %get3A_28 = arith.constant 0 : index
      %get3A_29 = vector.load %arg6[%get3A_26, %get3A_27, %get3A_28] : memref<1x1x512xf32, #tpu.memory_space<vmem>>, vector<1x1x512xf32>
      %get3A_30 = vector.shape_cast %get3A_29 : vector<1x1x512xf32> to vector<1x512xf32>
      %add3A_31 = vector.broadcast %get3A_30 : vector<1x512xf32> to vector<32x512xf32>
      %add3A_32 = arith.addf %dot_general3A_25, %add3A_31 : vector<32x512xf32>
      %swap3A = arith.index_cast %multiple_of3A : i32 to index
      %swap3A_33 = arith.constant 0 : index
      %swap3A_34 = vector.load %arg7[%swap3A, %swap3A_33] : memref<512x512xf32, #tpu.memory_space<vmem>>, vector<32x512xf32>
      tpu.vector_store %arg7[%swap3A, %swap3A_33], %add3A_32 {strides = array<i32>} : memref<512x512xf32, #tpu.memory_space<vmem>>, vector<32x512xf32>,
      %while3A_35 = arith.constant 0 : i32
      scf.yield %while3A_35 : i32
    }
    %while3A_12 = arith.constant 1 : i32
    %while3A_13 = scf.for %while3A_14 = %while3A_9 to %while3A_5 step %while3A_12 iter_args(%while3A_15 = %while3A_11) -> (i32)  : i32 {
      %mul3A = arith.constant 32 : i32
      %mul3A_16 = arith.muli %while3A_14, %mul3A : i32
      %add3A = arith.addi %get3A_2, %mul3A_16 : i32
      %multiple_of3A = tpu.assume_multiple %add3A, 32 : i32
      %get3A_17 = arith.index_cast %multiple_of3A : i32 to index
      %get3A_18 = arith.constant 0 : index
      %get3A_19 = vector.load %arg4[%get3A_17, %get3A_18] : memref<512x2048xf32, #tpu.memory_space<vmem>>, vector<32x2048xf32>
      %get3A_20 = arith.constant 0 : index
      %get3A_21 = arith.constant 0 : index
      %get3A_22 = arith.constant 0 : index
      %get3A_23 = vector.load %arg5[%get3A_20, %get3A_21, %get3A_22] : memref<1x512x2048xf32, #tpu.memory_space<vmem>>, vector<1x512x2048xf32>
      %get3A_24 = vector.shape_cast %get3A_23 : vector<1x512x2048xf32> to vector<512x2048xf32>
      %dot_general3A = arith.constant dense<0.000000e+00> : vector<32x512xf32>
      %dot_general3A_25 = tpu.matmul %get3A_19, %get3A_24, %dot_general3A {dimension_numbers = #tpu.dot_dimension_numbers<[1], [1], [0], [0], [0, 0, 1, 0], [], []>, transpose_lhs_hint = false} : vector<32x2048xf32>, vector<512x2048xf32>, vector<32x512xf32> -> vector<32x512xf32>
      %get3A_26 = arith.constant 0 : index
      %get3A_27 = arith.constant 0 : index
      %get3A_28 = arith.constant 0 : index
      %get3A_29 = vector.load %arg6[%get3A_26, %get3A_27, %get3A_28] : memref<1x1x512xf32, #tpu.memory_space<vmem>>, vector<1x1x512xf32>
      %get3A_30 = vector.shape_cast %get3A_29 : vector<1x1x512xf32> to vector<1x512xf32>
      %add3A_31 = vector.broadcast %get3A_30 : vector<1x512xf32> to vector<32x512xf32>
      %add3A_32 = arith.addf %dot_general3A_25, %add3A_31 : vector<32x512xf32>
      %swap3A = arith.index_cast %multiple_of3A : i32 to index
      %swap3A_33 = arith.constant 0 : index
      %swap3A_34 = vector.load %arg7[%swap3A, %swap3A_33] : memref<512x512xf32, #tpu.memory_space<vmem>>, vector<32x512xf32>
      tpu.vector_store %arg7[%swap3A, %swap3A_33], %add3A_32 {strides = array<i32>} : memref<512x512xf32, #tpu.memory_space<vmem>>, vector<32x512xf32>,
      %while3A_35 = arith.constant 0 : i32
      scf.yield %while3A_35 : i32
    }
    return
  }
  func.func @transform_0(%arg0: i32, %arg1: i32, %arg2: memref<8xi32, #tpu.memory_space<smem>>, %arg3: memref<8xi32, #tpu.memory_space<smem>>) -> (i32, i32) {
    %c0_i32 = arith.constant 0 : i32
    %c0_i32_0 = arith.constant 0 : i32
    %c0_i32_1 = arith.constant 0 : i32
    return %c0_i32, %c0_i32_0 : i32, i32
  }
  func.func @transform_1(%arg0: i32, %arg1: i32, %arg2: memref<8xi32, #tpu.memory_space<smem>>, %arg3: memref<8xi32, #tpu.memory_space<smem>>) -> (i32, i32, i32) {
    %c0_i32 = arith.constant 0 : i32
    %c0_i32_0 = arith.constant 0 : i32
    return %arg1, %arg0, %c0_i32 : i32, i32, i32
  }
  func.func @transform_2(%arg0: i32, %arg1: i32, %arg2: memref<8xi32, #tpu.memory_space<smem>>, %arg3: memref<8xi32, #tpu.memory_space<smem>>) -> (i32, i32, i32) {
    %c0_i32 = arith.constant 0 : i32
    %c0_i32_0 = arith.constant 0 : i32
    return %arg1, %c0_i32, %arg0 : i32, i32, i32
  }
  func.func @transform_3(%arg0: i32, %arg1: i32, %arg2: memref<8xi32, #tpu.memory_space<smem>>, %arg3: memref<8xi32, #tpu.memory_space<smem>>) -> (i32, i32) {
    %c0_i32 = arith.constant 0 : i32
    %c0_i32_0 = arith.constant 0 : i32
    return %c0_i32, %arg0 : i32, i32
  }
}

module attributes {stable_mosaic.version = 14 : i64} {
  func.func @_route_body(%arg0: memref<256x2048xf32, #tpu.memory_space<vmem>>, %arg1: memref<8x2048xf32, #tpu.memory_space<vmem>>, %arg2: memref<1x8xf32, #tpu.memory_space<vmem>>, %arg3: memref<1x1xf32, #tpu.memory_space<vmem>>, %arg4: memref<1x256xi32, #tpu.memory_space<vmem>>, %arg5: memref<1x512xi32, #tpu.memory_space<vmem>>, %arg6: memref<1x8xi32, #tpu.memory_space<vmem>>, %arg7: memref<1x8xi32, #tpu.memory_space<vmem>>) attributes {dimension_semantics = [], scalar_prefetch = 0 : i64, scratch_operands = 0 : i64, tpu.core_type = #tpu.core_type<tc>} {
    %get3A = arith.constant 0 : index
    %get3A_0 = arith.constant 0 : index
    %get3A_1 = vector.load %arg0[%get3A, %get3A_0] : memref<256x2048xf32, #tpu.memory_space<vmem>>, vector<256x2048xf32>
    %get3A_2 = arith.constant 0 : index
    %get3A_3 = arith.constant 0 : index
    %get3A_4 = vector.load %arg1[%get3A_2, %get3A_3] : memref<8x2048xf32, #tpu.memory_space<vmem>>, vector<8x2048xf32>
    %dot_general3A = arith.constant dense<0.000000e+00> : vector<256x8xf32>
    %dot_general3A_5 = tpu.matmul %get3A_1, %get3A_4, %dot_general3A {dimension_numbers = #tpu.dot_dimension_numbers<[1], [1], [0], [0], [0, 0, 1, 0], [], []>, transpose_lhs_hint = false} : vector<256x2048xf32>, vector<8x2048xf32>, vector<256x8xf32> -> vector<256x8xf32>
    %get3A_6 = arith.constant 0 : index
    %get3A_7 = arith.constant 0 : index
    %get3A_8 = vector.load %arg2[%get3A_6, %get3A_7] : memref<1x8xf32, #tpu.memory_space<vmem>>, vector<1x8xf32>
    %add3A = vector.broadcast %get3A_8 : vector<1x8xf32> to vector<256x8xf32>
    %add3A_9 = arith.addf %dot_general3A_5, %add3A : vector<256x8xf32>
    %reduce_max3A = arith.constant dense<0xFF800000> : vector<256xf32>
    %reduce_max3A_10 = vector.multi_reduction <maximumf>, %add3A_9, %reduce_max3A [1] : vector<256x8xf32> to vector<256xf32>
    %broadcast_in_dim3A = vector.shape_cast %reduce_max3A_10 : vector<256xf32> to vector<256x1xf32>
    %sub3A = vector.broadcast %broadcast_in_dim3A : vector<256x1xf32> to vector<256x8xf32>
    %sub3A_11 = arith.subf %add3A_9, %sub3A : vector<256x8xf32>
    %exp3A = math.exp %sub3A_11 : vector<256x8xf32>
    %reduce_sum3A = arith.constant dense<0.000000e+00> : vector<256xf32>
    %reduce_sum3A_12 = vector.multi_reduction <add>, %exp3A, %reduce_sum3A [1] : vector<256x8xf32> to vector<256xf32>
    %broadcast_in_dim3A_13 = vector.shape_cast %reduce_sum3A_12 : vector<256xf32> to vector<256x1xf32>
    %div3A = vector.broadcast %broadcast_in_dim3A_13 : vector<256x1xf32> to vector<256x8xf32>
    %div3A_14 = arith.divf %exp3A, %div3A : vector<256x8xf32>
    %reduce_sum3A_15 = arith.constant dense<0.000000e+00> : vector<8xf32>
    %reduce_sum3A_16 = vector.multi_reduction <add>, %div3A_14, %reduce_sum3A_15 [0] : vector<256x8xf32> to vector<8xf32>
    %broadcast_in_dim3A_17 = vector.shape_cast %reduce_sum3A_16 : vector<8xf32> to vector<1x8xf32>
    %div3A_18 = arith.constant 2.560000e+02 : f32
    %div3A_19 = vector.broadcast %div3A_18 : f32 to vector<1x8xf32>
    %div3A_20 = arith.divf %broadcast_in_dim3A_17, %div3A_19 : vector<1x8xf32>
    %mul3A = arith.constant 8.000000e+00 : f32
    %mul3A_21 = vector.broadcast %mul3A : f32 to vector<1x8xf32>
    %mul3A_22 = arith.mulf %div3A_20, %mul3A_21 : vector<1x8xf32>
    %integer_pow3A = arith.mulf %mul3A_22, %mul3A_22 : vector<1x8xf32>
    %reduce_sum3A_23 = arith.constant dense<0.000000e+00> : vector<1xf32>
    %reduce_sum3A_24 = vector.multi_reduction <add>, %integer_pow3A, %reduce_sum3A_23 [1] : vector<1x8xf32> to vector<1xf32>
    %broadcast_in_dim3A_25 = vector.shape_cast %reduce_sum3A_24 : vector<1xf32> to vector<1x1xf32>
    %div3A_26 = arith.constant 8.000000e+00 : f32
    %div3A_27 = vector.broadcast %div3A_26 : f32 to vector<1x1xf32>
    %div3A_28 = arith.divf %broadcast_in_dim3A_25, %div3A_27 : vector<1x1xf32>
    %swap3A = arith.constant 0 : index
    %swap3A_29 = arith.constant 0 : index
    %swap3A_30 = vector.load %arg3[%swap3A, %swap3A_29] : memref<1x1xf32, #tpu.memory_space<vmem>>, vector<1x1xf32>
    tpu.vector_store %arg3[%swap3A, %swap3A_29], %div3A_28 {strides = array<i32>} : memref<1x1xf32, #tpu.memory_space<vmem>>, vector<1x1xf32>,
    %iota3A = tpu.iota {dimensions = array<i32: 1>} : vector<256x8xi32>
    %reduce_max3A_31 = arith.constant dense<0xFF800000> : vector<256xf32>
    %reduce_max3A_32 = vector.multi_reduction <maximumf>, %div3A_14, %reduce_max3A_31 [1] : vector<256x8xf32> to vector<256xf32>
    %broadcast_in_dim3A_33 = vector.shape_cast %reduce_max3A_32 : vector<256xf32> to vector<256x1xf32>
    %eq3A = vector.broadcast %broadcast_in_dim3A_33 : vector<256x1xf32> to vector<256x8xf32>
    %eq3A_34 = arith.cmpf oeq, %div3A_14, %eq3A : vector<256x8xf32>
    %jit3A = arith.constant 8 : i32
    %broadcast_in_dim3A_35 = vector.broadcast %jit3A : i32 to vector<256x8xi32>
    %select_n3A = arith.select %eq3A_34, %iota3A, %broadcast_in_dim3A_35 : vector<256x8xi1>, vector<256x8xi32>
    %reduce_min3A = arith.constant dense<2147483647> : vector<256xi32>
    %reduce_min3A_36 = vector.multi_reduction <minsi>, %select_n3A, %reduce_min3A [1] : vector<256x8xi32> to vector<256xi32>
    %broadcast_in_dim3A_37 = vector.shape_cast %reduce_min3A_36 : vector<256xi32> to vector<256x1xi32>
    %eq3A_38 = vector.broadcast %broadcast_in_dim3A_37 : vector<256x1xi32> to vector<256x8xi32>
    %eq3A_39 = arith.cmpi eq, %iota3A, %eq3A_38 : vector<256x8xi32>
    %convert_element_type3A = arith.extui %eq3A_39 : vector<256x8xi1> to vector<256x8xi32>
    %convert_element_type3A_40 = arith.sitofp %convert_element_type3A : vector<256x8xi32> to vector<256x8xf32>
    %reduce_sum3A_41 = arith.constant dense<0.000000e+00> : vector<8xf32>
    %reduce_sum3A_42 = vector.multi_reduction <add>, %convert_element_type3A_40, %reduce_sum3A_41 [0] : vector<256x8xf32> to vector<8xf32>
    %broadcast_in_dim3A_43 = vector.shape_cast %reduce_sum3A_42 : vector<8xf32> to vector<1x8xf32>
    %div3A_44 = arith.constant 3.200000e+01 : f32
    %div3A_45 = vector.broadcast %div3A_44 : f32 to vector<1x8xf32>
    %div3A_46 = arith.divf %broadcast_in_dim3A_43, %div3A_45 : vector<1x8xf32>
    %ceil3A = math.ceil %div3A_46 : vector<1x8xf32>
    %mul3A_47 = arith.constant 3.200000e+01 : f32
    %mul3A_48 = vector.broadcast %mul3A_47 : f32 to vector<1x8xf32>
    %mul3A_49 = arith.mulf %ceil3A, %mul3A_48 : vector<1x8xf32>
    %iota3A_50 = tpu.iota {dimensions = array<i32: 0>} : vector<8x8xi32>
    %iota3A_51 = tpu.iota {dimensions = array<i32: 1>} : vector<8x8xi32>
    %eq3A_52 = arith.cmpi eq, %iota3A_50, %iota3A_51 : vector<8x8xi32>
    %jit3A_53 = arith.constant 0.000000e+00 : f32
    %broadcast_in_dim3A_54 = vector.shape_cast %mul3A_49 : vector<1x8xf32> to vector<1x8xf32>
    %broadcast_in_dim3A_55 = vector.broadcast %broadcast_in_dim3A_54 : vector<1x8xf32> to vector<8x8xf32>
    %broadcast_in_dim3A_56 = vector.broadcast %jit3A_53 : f32 to vector<8x8xf32>
    %select_n3A_57 = arith.select %eq3A_52, %broadcast_in_dim3A_55, %broadcast_in_dim3A_56 : vector<8x8xi1>, vector<8x8xf32>
    %reduce_sum3A_58 = arith.constant dense<0.000000e+00> : vector<8xf32>
    %reduce_sum3A_59 = vector.multi_reduction <add>, %select_n3A_57, %reduce_sum3A_58 [1] : vector<8x8xf32> to vector<8xf32>
    %broadcast_in_dim3A_60 = vector.shape_cast %reduce_sum3A_59 : vector<8xf32> to vector<8x1xf32>
    %lt3A = arith.cmpi slt, %iota3A_50, %iota3A_51 : vector<8x8xi32>
    %jit3A_61 = arith.constant 0.000000e+00 : f32
    %broadcast_in_dim3A_62 = vector.shape_cast %broadcast_in_dim3A_60 : vector<8x1xf32> to vector<8x1xf32>
    %broadcast_in_dim3A_63 = vector.broadcast %broadcast_in_dim3A_62 : vector<8x1xf32> to vector<8x8xf32>
    %broadcast_in_dim3A_64 = vector.broadcast %jit3A_61 : f32 to vector<8x8xf32>
    %select_n3A_65 = arith.select %lt3A, %broadcast_in_dim3A_63, %broadcast_in_dim3A_64 : vector<8x8xi1>, vector<8x8xf32>
    %reduce_sum3A_66 = arith.constant dense<0.000000e+00> : vector<8xf32>
    %reduce_sum3A_67 = vector.multi_reduction <add>, %select_n3A_65, %reduce_sum3A_66 [0] : vector<8x8xf32> to vector<8xf32>
    %broadcast_in_dim3A_68 = vector.shape_cast %reduce_sum3A_67 : vector<8xf32> to vector<1x8xf32>
    %iota3A_69 = tpu.iota {dimensions = array<i32: 0>} : vector<256x256xi32>
    %iota3A_70 = tpu.iota {dimensions = array<i32: 1>} : vector<256x256xi32>
    %ge3A = arith.cmpi sge, %iota3A_69, %iota3A_70 : vector<256x256xi32>
    %convert_element_type3A_71 = arith.extui %ge3A : vector<256x256xi1> to vector<256x256xi32>
    %convert_element_type3A_72 = arith.sitofp %convert_element_type3A_71 : vector<256x256xi32> to vector<256x256xf32>
    %dot_general3A_73 = arith.constant dense<0.000000e+00> : vector<256x8xf32>
    %dot_general3A_74 = tpu.matmul %convert_element_type3A_72, %convert_element_type3A_40, %dot_general3A_73 {dimension_numbers = #tpu.dot_dimension_numbers<[1], [0], [0], [1], [0, 0, 1, 1], [], []>, transpose_lhs_hint = false} : vector<256x256xf32>, vector<256x8xf32>, vector<256x8xf32> -> vector<256x8xf32>
    %mul3A_75 = arith.mulf %dot_general3A_74, %convert_element_type3A_40 : vector<256x8xf32>
    %reduce_sum3A_76 = arith.constant dense<0.000000e+00> : vector<256xf32>
    %reduce_sum3A_77 = vector.multi_reduction <add>, %mul3A_75, %reduce_sum3A_76 [1] : vector<256x8xf32> to vector<256xf32>
    %broadcast_in_dim3A_78 = vector.shape_cast %reduce_sum3A_77 : vector<256xf32> to vector<256x1xf32>
    %sub3A_79 = arith.constant 1.000000e+00 : f32
    %sub3A_80 = vector.broadcast %sub3A_79 : f32 to vector<256x1xf32>
    %sub3A_81 = arith.subf %broadcast_in_dim3A_78, %sub3A_80 : vector<256x1xf32>
    %mul3A_82 = vector.broadcast %broadcast_in_dim3A_68 : vector<1x8xf32> to vector<256x8xf32>
    %mul3A_83 = arith.mulf %convert_element_type3A_40, %mul3A_82 : vector<256x8xf32>
    %reduce_sum3A_84 = arith.constant dense<0.000000e+00> : vector<256xf32>
    %reduce_sum3A_85 = vector.multi_reduction <add>, %mul3A_83, %reduce_sum3A_84 [1] : vector<256x8xf32> to vector<256xf32>
    %broadcast_in_dim3A_86 = vector.shape_cast %reduce_sum3A_85 : vector<256xf32> to vector<256x1xf32>
    %add3A_87 = arith.addf %broadcast_in_dim3A_86, %sub3A_81 : vector<256x1xf32>
    %eq3A_88 = arith.cmpi eq, %iota3A_69, %iota3A_70 : vector<256x256xi32>
    %jit3A_89 = arith.constant 0.000000e+00 : f32
    %broadcast_in_dim3A_90 = vector.shape_cast %add3A_87 : vector<256x1xf32> to vector<256x1xf32>
    %broadcast_in_dim3A_91 = vector.broadcast %broadcast_in_dim3A_90 : vector<256x1xf32> to vector<256x256xf32>
    %broadcast_in_dim3A_92 = vector.broadcast %jit3A_89 : f32 to vector<256x256xf32>
    %select_n3A_93 = arith.select %eq3A_88, %broadcast_in_dim3A_91, %broadcast_in_dim3A_92 : vector<256x256xi1>, vector<256x256xf32>
    %reduce_sum3A_94 = arith.constant dense<0.000000e+00> : vector<256xf32>
    %reduce_sum3A_95 = vector.multi_reduction <add>, %select_n3A_93, %reduce_sum3A_94 [0] : vector<256x256xf32> to vector<256xf32>
    %broadcast_in_dim3A_96 = vector.shape_cast %reduce_sum3A_95 : vector<256xf32> to vector<1x256xf32>
    %convert_element_type3A_97 = arith.fptosi %broadcast_in_dim3A_96 : vector<1x256xf32> to vector<1x256xi32>
    %swap3A_98 = arith.constant 0 : index
    %swap3A_99 = arith.constant 0 : index
    %swap3A_100 = vector.load %arg4[%swap3A_98, %swap3A_99] : memref<1x256xi32, #tpu.memory_space<vmem>>, vector<1x256xi32>
    tpu.vector_store %arg4[%swap3A_98, %swap3A_99], %convert_element_type3A_97 {strides = array<i32>} : memref<1x256xi32, #tpu.memory_space<vmem>>, vector<1x256xi32>,
    %convert_element_type3A_101 = arith.fptosi %add3A_87 : vector<256x1xf32> to vector<256x1xi32>
    %iota3A_102 = tpu.iota {dimensions = array<i32: 1>} : vector<256x512xi32>
    %iota3A_103 = tpu.iota {dimensions = array<i32: 0>} : vector<256x512xi32>
    %eq3A_104 = vector.broadcast %convert_element_type3A_101 : vector<256x1xi32> to vector<256x512xi32>
    %eq3A_105 = arith.cmpi eq, %eq3A_104, %iota3A_102 : vector<256x512xi32>
    %jit3A_106 = arith.constant 0 : i32
    %broadcast_in_dim3A_107 = vector.broadcast %jit3A_106 : i32 to vector<256x512xi32>
    %select_n3A_108 = arith.select %eq3A_105, %iota3A_103, %broadcast_in_dim3A_107 : vector<256x512xi1>, vector<256x512xi32>
    %reduce_sum3A_109 = arith.constant dense<0> : vector<512xi32>
    %reduce_sum3A_110 = vector.multi_reduction <add>, %select_n3A_108, %reduce_sum3A_109 [0] : vector<256x512xi32> to vector<512xi32>
    %broadcast_in_dim3A_111 = vector.shape_cast %reduce_sum3A_110 : vector<512xi32> to vector<1x512xi32>
    %swap3A_112 = arith.constant 0 : index
    %swap3A_113 = arith.constant 0 : index
    %swap3A_114 = vector.load %arg5[%swap3A_112, %swap3A_113] : memref<1x512xi32, #tpu.memory_space<vmem>>, vector<1x512xi32>
    tpu.vector_store %arg5[%swap3A_112, %swap3A_113], %broadcast_in_dim3A_111 {strides = array<i32>} : memref<1x512xi32, #tpu.memory_space<vmem>>, vector<1x512xi32>,
    %div3A_115 = arith.constant 3.200000e+01 : f32
    %div3A_116 = vector.broadcast %div3A_115 : f32 to vector<1x8xf32>
    %div3A_117 = arith.divf %mul3A_49, %div3A_116 : vector<1x8xf32>
    %convert_element_type3A_118 = arith.fptosi %div3A_117 : vector<1x8xf32> to vector<1x8xi32>
    %swap3A_119 = arith.constant 0 : index
    %swap3A_120 = arith.constant 0 : index
    %swap3A_121 = vector.load %arg6[%swap3A_119, %swap3A_120] : memref<1x8xi32, #tpu.memory_space<vmem>>, vector<1x8xi32>
    tpu.vector_store %arg6[%swap3A_119, %swap3A_120], %convert_element_type3A_118 {strides = array<i32>} : memref<1x8xi32, #tpu.memory_space<vmem>>, vector<1x8xi32>,
    %convert_element_type3A_122 = arith.fptosi %broadcast_in_dim3A_68 : vector<1x8xf32> to vector<1x8xi32>
    %swap3A_123 = arith.constant 0 : index
    %swap3A_124 = arith.constant 0 : index
    %swap3A_125 = vector.load %arg7[%swap3A_123, %swap3A_124] : memref<1x8xi32, #tpu.memory_space<vmem>>, vector<1x8xi32>
    tpu.vector_store %arg7[%swap3A_123, %swap3A_124], %convert_element_type3A_122 {strides = array<i32>} : memref<1x8xi32, #tpu.memory_space<vmem>>, vector<1x8xi32>,
    return
  }
}

</mosaic_0001>

<sc_bundles>
// kernel: kernel.6.cloned.1.call-start
scs
__scs_entry_jumppad:
0x0: {  	(pc) =	sbr.rel $0x88, $3  }
0x1: {  	(tag) =	ssettag $0x0;
	lr =	simm.s32 $0x1  }
0x2: {  	[smem:$0x3F9C] =	sst lr;
	_ =	strace $0xD0000000  }
0x3: {  	_ = 	snop  }
0x4: {  	_ = 	snop  }
0x5: {  	_ = 	snop  }
0x6: {  	_ = 	snop  }
0x7: {  	_ = 	snop  }
__scs_overlays_trampoline_lowered:
0x8: {  	[smem:$0x3FAB] =	sst s0  }
0x9: {  	[smem:$0x3FAC] =	sst s1  }
0xa: {  	[smem:$0x3FAD] =	sst s2  }
0xb: {  	[smem:$0x3FAE] =	sst s3  }
0xc: {  	[smem:$0x3FAF] =	sst s4  }
0xd: {  	[smem:$0x3FB0] =	sst s5  }
0xe: {  	[smem:$0x3FB1] =	sst s6  }
0xf: {  	[smem:$0x3FB2] =	sst s7  }
0x10: {  	[smem:$0x3FB3] =	sst s8  }
0x11: {  	[smem:$0x3FB4] =	sst s9;
	s0 =	simm.s32 @!p0 $0x0  }
0x12: {  	s1 =	sld [smem:$0x3F9A];
	s0 =	simm.s32 @p0 $0x1  }
0x13: {  	[smem:$0x3FB5] =	sst s0;
	s0 =	simm.s32 @!p1 $0x0  }
0x14: {  	s2 =	sld [smem:$0x3F99];
	s0 =	simm.s32 @p1 $0x1  }
0x15: {  	[smem:$0x3FB6] =	sst s0;
	s0 =	simm.s32 @!p2 $0x0  }
0x16: {  	s3 =	sld [smem:$0x3FDB];
	s0 =	simm.s32 @p2 $0x1  }
0x17: {  	s4 =	simm.s32 $0x1BF5;
	[smem:$0x3FB8] =	sst s0  }
0x18: {  	s0 =	sld [smem:$0x3F9B];
	_ =	swait.ge [sflag:s4], $0x0  }
0x19: {  	s7 =	sld [smem:$0x3F9C]  }
0x1a: {  	s8 =	sadd.s32 $0xFFFFE003, lr  }
0x1b: {  	s9 =	sadd.s32 $0xFFFFFEF7, lr;
	s5 =	simm.s32 $0xFFFFFFFF;
	p2 =	slt.u32 s8, $0xFFFFF086  }
0x1c: {  	p1 =	slt.u32 s9, $0xF7A;
	s5 =	simm.s32 @!p2 $0x0  }
0x1d: {  	s5 =	simm.s32 @p1 $0x1;
	p0 =	seq.s32 s7, s2  }
0x1e: {  	s7 =	smul.u32 @!p0 $0xF7A, s2;
	p2 =	seq.s32 @!p0 s5, $0x0  }
0x1f: {  	s9 =	smul.u32 $0xF7A, s1;
	s8 =	simm.s32 @!p0 $0x1BF5;
	p2 =	por !p2, p0  }
0x20: {  	[sflag:s8] =	ssyncset.s32 @!p0 $0xFFFFF086;
	s6 =	sadd.s32 @!p0 s3, s7;
	s7 =	simm.s32 @!p0 $0x108  }
0x21: {  	s3 =	sadd.s32 s3, s9;
	s6 =	sadd.s32 @!p0 $0x88, s6;
	s7 =	simm.s32 @p2 $0x1082  }
0x22: {  	[simem:s7], [sflag:s8] =	dma.local @!p0 [hbm:s6], $0xF7A  }
0x23: {  	s9 =	sor.u32 $0xD0000000, s2;
	s6 =	simm.s32 $0x108;
	_ =	swait.ge @!p0 [sflag:s8], $0x0  }
0x24: {  	s3 =	sadd.s32 $0x88, s3;
	s6 =	simm.s32 @!p1 $0x1082;
	[sflag:s4] =	ssyncset.s32 $0xFFFFF086  }
0x25: {  	[simem:s6], [sflag:s4] =	dma.local [hbm:s3], $0xF7A  }
0x26: {  	[smem:$0x3F9C] =	sst s1;
	(tag) =	ssettag s2;
	_ =	strace s9  }
0x27: {  	s1 =	sld [smem:$0x3FAC]  }
0x28: {  	s2 =	sld [smem:$0x3FAD]  }
0x29: {  	s4 =	sld [smem:$0x3FAF]  }
0x2a: {  	p0 =	seq.s32 s5, $0x0;
	s5 =	sld [smem:$0x3FB0]  }
0x2b: {  	s6 =	sld [smem:$0x3FB1]  }
0x2c: {  	s7 =	sld [smem:$0x3FB2]  }
0x2d: {  	s3 =	simm.s32 $0x108;
	s8 =	sld [smem:$0x3FB3]  }
0x2e: {  	s3 =	simm.s32 @!p0 $0x1082;
	s9 =	sld [smem:$0x3FB4]  }
0x2f: {  	lr =	sadd.s32 s0, s3;
	s0 =	sld [smem:$0x3FAB]  }
0x30: {  	s3 =	sld [smem:$0x3FAE]  }
0x31: {  	[smem:$0x3FB7] =	sst s10  }
0x32: {  	s10 =	sld [smem:$0x3FB5];
	_ =	sdelay $0x3  }
0x33: {  	p0 =	seq.s32 s10, $0x1;
	s10 =	sld [smem:$0x3FB7];
	_ =	sdelay $0x3  }
0x34: {  	[smem:$0x3FB7] =	sst s10  }
0x35: {  	s10 =	sld [smem:$0x3FB6];
	_ =	sdelay $0x3  }
0x36: {  	p1 =	seq.s32 s10, $0x1;
	s10 =	sld [smem:$0x3FB7];
	_ =	sdelay $0x3  }
0x37: {  	[smem:$0x3FB7] =	sst s10  }
0x38: {  	s10 =	sld [smem:$0x3FB8]  }
0x39: {  	_ = 	snop;
	(pc) =	sbr.ind lr, $3  }
0x3a: {  	_ = 	snop  }
0x3b: {  	_ = 	snop  }
0x3c: {  	p2 =	seq.s32 s10, $0x1;
	s10 =	sld [smem:$0x3FB7]  }
0x3d: {  	_ =	shalt  }
0x3e: {  	_ =	shalt  }
0x3f: {  	_ =	shalt  }
0x40: {  	_ =	shalt  }
0x41: {  	_ =	shalt  }
0x42: {  	_ =	shalt  }
0x43: {  	_ =	shalt  }
0x44: {  	_ =	shalt  }
0x45: {  	_ =	shalt  }
0x46: {  	_ =	shalt  }
0x47: {  	_ =	shalt  }
0x48: {  	_ =	shalt  }
0x49: {  	_ =	shalt  }
0x4a: {  	_ =	shalt  }
0x4b: {  	_ =	shalt  }
0x4c: {  	_ =	shalt  }
0x4d: {  	_ =	shalt  }
0x4e: {  	_ =	shalt  }
0x4f: {  	_ =	shalt  }
0x50: {  	_ =	shalt  }
0x51: {  	_ =	shalt  }
0x52: {  	_ =	shalt  }
0x53: {  	_ =	shalt  }
0x54: {  	_ =	shalt  }
0x55: {  	_ =	shalt  }
0x56: {  	_ =	shalt  }
0x57: {  	_ =	shalt  }
0x58: {  	_ =	shalt  }
0x59: {  	_ =	shalt  }
0x5a: {  	_ =	shalt  }
0x5b: {  	_ =	shalt  }
0x5c: {  	_ =	shalt  }
0x5d: {  	_ =	shalt  }
0x5e: {  	_ =	shalt  }
0x5f: {  	_ =	shalt  }
0x60: {  	_ =	shalt  }
0x61: {  	_ =	shalt  }
0x62: {  	_ =	shalt  }
0x63: {  	_ =	shalt  }
0x64: {  	_ =	shalt  }
0x65: {  	_ =	shalt  }
0x66: {  	_ =	shalt  }
0x67: {  	_ =	shalt  }
0x68: {  	_ =	shalt  }
0x69: {  	_ =	shalt  }
0x6a: {  	_ =	shalt  }
0x6b: {  	_ =	shalt  }
0x6c: {  	_ =	shalt  }
0x6d: {  	_ =	shalt  }
0x6e: {  	_ =	shalt  }
0x6f: {  	_ =	shalt  }
0x70: {  	_ =	shalt  }
0x71: {  	_ =	shalt  }
0x72: {  	_ =	shalt  }
0x73: {  	_ =	shalt  }
0x74: {  	_ =	shalt  }
0x75: {  	_ =	shalt  }
0x76: {  	_ =	shalt  }
0x77: {  	_ =	shalt  }
0x78: {  	_ =	shalt  }
0x79: {  	_ =	shalt  }
0x7a: {  	_ =	shalt  }
0x7b: {  	_ =	shalt  }
0x7c: {  	_ =	shalt  }
0x7d: {  	_ =	shalt  }
0x7e: {  	_ =	shalt  }
0x7f: {  	_ =	shalt  }
0x80: {  	_ =	shalt  }
0x81: {  	_ =	shalt  }
0x82: {  	_ =	shalt  }
0x83: {  	_ =	shalt  }
0x84: {  	_ =	shalt  }
0x85: {  	_ =	shalt  }
0x86: {  	_ =	shalt  }
0x87: {  	_ =	shalt  }
.Lfunc_end0:
.L_simem_size_0:
called_computation_lowered:
.L_overlay_start_0:
0x88: {  	s2 =	sld [smem:$0x3FD9]  }
0x89: {  	s3 =	sld [smem:$0x3FFE];
	_ =	sdelay $0x1  }
0x8a: {  	s1 =	srdreg.scid  }
0x8b: {  	s0 =	sand.u32 $0x1, s1  }
0x8c: {  	s14 =	sshll.u32 s0, $0xA;
	s2 =	sadd.s32 s3, s2  }
0x8d: {  	s2 =	sadd.s32 s2, s14  }
0x8e: {  	[smem:$0x3FC3] =	sst s2  }
0x8f: {  	_ = 	snop  }
0x90: {  	s2 =	sld [smem:$0x3FD0];
	_ =	sdelay $0x2  }
0x91: {  	s4 =	simm.s32 $0xA;
	s5 =	simm.s32 $0x10;
	s15 =	sld [smem:$0x3FC9]  }
0x92: {  	[smem:s5], [sflag:s4] =	dma.local [hbm:s2], $0x1  }
0x93: {  	_ =	swait.eq [sflag:s4], $0x1  }
0x94: {  	[sflag:s4] =	ssyncset.done $0x0  }
0x95: {  	[sflag:s4] =	ssyncadd.s32 $0xFFFFFFFF  }
0x96: {  	s16 =	sld [smem:$0x10];
	(tm) =	ssettm $0x1  }
0x97: {  	s17 =	sld [smem:$0x3FFB];
	_ =	sdelay $0x3  }
0x98: {  	_ =	strace s17  }
0x99: {  	s4 =	sld [smem:$0x3FFC];
	_ =	sdelay $0x3  }
0x9a: {  	_ =	strace s4  }
0x9b: {  	s4 =	sld [smem:$0x3FFD];
	_ =	sdelay $0x3  }
0x9c: {  	_ =	strace s4  }
0x9d: {  	_ =	strace $0x8FFFFFFF  }
0x9e: {  	s18 =	sld [smem:$0x3FDB];
	_ =	sdelay $0x1  }
0x9f: {  	s19 =	simm.s32 $_scs_section_size  }
0xa0: {  	s6 =	simm.s32 $_size__tile_overlayer_lowered;
	s7 =	simm.s32 $_tile_overlayer_lowered  }
0xa1: {  	s22 =	simm.s32 $0x1BFF;
	s21 =	sshll.u32 s7, $0x1;
	s4 =	sadd.s32 s19, s18  }
0xa2: {  	s8 =	simm.s32 $0x0;
	s20 =	sshll.u32 s6, $0x1;
	s6 =	sadd.s32 s21, s4  }
0xa3: {  	[timem:s8], [sflag:s22] =	dma.local [hbm:s6], s20  }
0xa4: {  	_ =	swait.ge [sflag:s22], s20  }
0xa5: {  	s5 =	ssub.s32 $0x0, s20;
	[sflag:s22] =	ssyncset.done $0x0  }
0xa6: {  	[sflag:s22] =	ssyncadd.s32 s5;
	_ =	sdelay $0x1  }
0xa7: {  	s23 =	simm.s32 $0x1B8B  }
0xa8: {  	_ =	swait.ge [sflag:s23], $0x1  }
0xa9: {  	[sflag:s23] =	ssyncset.done $0x0  }
0xaa: {  	s25 =	simm.s32 $0x1B8E;
	s24 =	sld [smem:$0x3FFE];
	[sflag:s23] =	ssyncadd.s32 $0xFFFFFFFF  }
0xab: {  	s26 =	simm.s32 $execute0_lowered;
	[smem:$0x3FD2] =	sst s25  }
0xac: {  	s6 =	sshll.u32 s26, $0x1;
	_ =	strace $0x80000046;
	[dreg:$0x1] =	wrdreg $0xFFFFFFFF  }
0xad: {  	s28 =	simm.s32 $_size_execute0_lowered;
	s4 =	sadd.s32 s4, s6;
	[dreg:$0x0] =	wrdreg $0x0  }
0xae: {  	s6 =	sshll.u32 s28, $0x1;
	[dreg:$0x2] =	wrdreg s4  }
0xaf: {  	[dreg:$0x3] =	wrdreg s6  }
0xb0: {  	[dreg:$0x4] =	wrdreg $0xC0  }
0xb1: {  	_ =	task [dreg:s8], $0x5FFFF  }
0xb2: {  	[dreg:$0x1] =	wrdreg $0xFFFFFFFF  }
0xb3: {  	[dreg:$0x0] =	wrdreg $0x60  }
0xb4: {  	[dreg:$0x2] =	wrdreg s15  }
0xb5: {  	[dreg:$0x3] =	wrdreg s16  }
0xb6: {  	[dreg:$0x4] =	wrdreg s24  }
0xb7: {  	[dreg:$0x5] =	wrdreg $0x9  }
0xb8: {  	_ =	task.clear_ibuf [dreg:s8], $0x6FFFF;
	_ =	strace $0x90000046  }
0xb9: {  	s29 =	simm.s32 $0x9;
	_ =	strace $0x80000048  }
0xba: {  	_ =	swait.ge [sflag:s29], $0x1  }
0xbb: {  	[sflag:s29] =	ssyncadd.s32 $0xFFFFFFFF  }
0xbc: {  	_ =	strace $0x90000048  }
0xbd: {  	_ =	sfence  }
0xbe: {  	s30 =	sld [smem:$0x0];
	_ =	sdelay $0x2  }
0xbf: {  	s31 =	sshll.u32 s1, $0xD;
	s1 =	sshrl.u32 s1, $0x2  }
0xc0: {  	s3 =	sand.u32 $0x4000, s31;
	s1 =	sadd.s32 s1, s30  }
0xc1: {  	s0 =	sor.u32 s3, s0;
	s1 =	sshll.u32 s1, $0x11  }
0xc2: {  	s0 =	sor.u32 s1, s0  }
0xc3: {  	s0 =	sadd.s32 $0x8F2B, s0  }
0xc4: {  	[sflag:s0] =	ssyncadd.remote.s32 $0x1  }
0xc5: {  	_ =	sfence.sel $0xFFFF  }
0xc6: {  	[dreg:$0x0] =	wrdreg $0xFFFFFFFF;
	(pc) =	sbr.abs _section_cstart, $3  }
0xc7: {  	[dreg:$0x1] =	wrdreg $0xFFFFFFFF  }
0xc8: {  	_ =	task.clear_ibuf [dreg:s8], $0x2FFFF;
	_ =	strace $0x9FFFFFFF  }
0xc9: {  	(tm) =	ssettm $0x7FFFFFFF  }
tec
execute0_lowered:
.L_overlay_start_1:
0x0: {  	(tag) =	ssettag $0x1  }
0x1: {  	s3 =	rddreg [dreg:$0x0]  }
0x2: {  	s0 =	rddreg [dreg:$0x1]  }
0x3: {  	s4 =	rddreg [dreg:$0x2];
	s5 =	srdreg.scid  }
0x4: {  	s2 =	simm.s32 $0x0;
	s1 =	stileid.u32;
	s21 =	simm.s32 $0x880  }
0x5: {  	s22 =	simm.s32 $0x1080;
	s23 =	simm.s32 $0x1880;
	s24 =	simm.s32 $0x2080  }
0x6: {  	s20 =	simm.s32 $0x2880;
	s14 =	simm.s32 $0x3080;
	s15 =	simm.s32 $0x3880  }
0x7: {  	s16 =	simm.s32 $0x4080;
	s17 =	simm.s32 $0x4880;
	s18 =	simm.s32 $0x5080  }
0x8: {  	s19 =	simm.s32 $0x5880;
	p0 =	por $0x0, $0x0;
	s28 =	simm.s32 $0x7080  }
0x9: {  	s30 =	simm.s32 $0x7880;
	s29 =	simm.s32 $0x1;
	s5 =	sand.u32 $0x1, s5  }
0xa: {  	[smem:$0x7FF] =	sst s2;
	s7 =	sshll.u32 s5, $0x4;
	s5 =	ssub.s32 $0x2, s5  }
0xb: {  	s6 =	sshll.u32 s1, $0x5;
	s8 =	sadd.s32 $0x300, s3;
	s25 =	sshrl.u32 s5, $0x1  }
0xc: {  	s9 =	sadd.s32 $0x400, s3;
	s10 =	sadd.s32 $0x500, s3;
	s13 =	ssub.s32 s5, s25  }
0xd: {  	s11 =	sadd.s32 $0x600, s3;
	s12 =	sadd.s32 $0x700, s3;
	s26 =	smax.u32 s13, $0x1  }
0xe: {  	_ =	strace $0x80000047;
	s6 =	sor.u32 s7, s6;
	p1 =	sne.s32 s26, $0x1  }
.Ltmp0:
0xf: {  	s7 =	sshll.u32 s6, $0x8;
	s6 =	sshrl.u32 s6, $0x3;
	(pc) =	sbr.rel @!p1 .LBB2_3-.Ltmp0, $4  }
0x10: {  	s25 =	simm.s32 $0x6080;
	s4 =	sadd.s32 s7, s4;
	s0 =	sadd.s32 s0, s6  }
0x11: {  	v2 =	vlaneseq.u32;
	s6 =	sadd.s32 $0x100, s3;
	s7 =	sadd.s32 $0x200, s3;
	s13 =	simm.s32 $0x80  }
0x12: {  	vm0 =	vmmov $0xffff;
	v0 =	vshrl.u32 v2, $0x3;
	[dreg:$0x4] =	wrdreg s0;
	s5 =	sadd.s32 $0x1C00, s4;
	s4 =	simm.s32 $0x2  }
0x13: {  	v1 =	vand.u32 $0x7, v2;
	v2 =	vor.u32 $0x8, v2;
	v0 =	vmul.u32 $0x8, v0;
	s31 =	sadd.s32 $0xFFFFFFFF, s26;
	s26 =	simm.s32 $0x6880;
	s0 =	rddreg [dreg:$0x4]  }
0x14: {  	[tilespmem:s2], [sflag:$0x2] =	stream.linear.gather [hbm4b:s0+s2], $0x10, $0x38;
	[tilespmem:$0x8080] =	vst v63  }
0x15: {  	_ =	swait.ge [sflag:s4], $0x10  }
0x16: {  	[sflag:s4] =	ssyncset.done $0x0  }
0x17: {  	[sflag:s4] =	ssyncadd.s32 $0xFFFFFFF0  }
0x18: {  	v3 =	vld [tilespmem:$0x0];
	_ =	sdelay $0x4  }
0x19: {  	v4 =	vshll.u32 v3, $0x4  }
0x1a: {  	v3 =	vand.u32 $0x7, v3;
	v4 =	vand.u32 $0xFFFFFF80, v4  }
0x1b: {  	v3 =	vor.u32 v3, v4  }
0x1c: {  	v4 =	vperm.xlane v3, v1;
	_ =	sdelay $0x1  }
0x1d: {  	v4 =	vadd.s32 v0, v4;
	_ =	sdelay $0x4  }
0x1e: {  	[tilespmem:s13], [sflag:$0x1] =	stream.indirect_vreg.gather [hbm4b:s3+s2], $0x80, v4, vm0, $0xb8;
	[tilespmem:$0x8080] =	vst v63  }
0x1f: {  	_ = 	snop  }
0x20: {  	[tilespmem:s21], [sflag:$0x1] =	stream.indirect_vreg.gather [hbm4b:s6+s2], $0x80, v4, vm0, $0xb8;
	[tilespmem:$0x8080] =	vst v63  }
0x21: {  	_ = 	snop  }
0x22: {  	[tilespmem:s22], [sflag:$0x1] =	stream.indirect_vreg.gather [hbm4b:s7+s2], $0x80, v4, vm0, $0xb8;
	[tilespmem:$0x8080] =	vst v63  }
0x23: {  	_ = 	snop  }
0x24: {  	[tilespmem:s23], [sflag:$0x1] =	stream.indirect_vreg.gather [hbm4b:s8+s2], $0x80, v4, vm0, $0xb8;
	[tilespmem:$0x8080] =	vst v63  }
0x25: {  	_ = 	snop  }
0x26: {  	[tilespmem:s24], [sflag:$0x1] =	stream.indirect_vreg.gather [hbm4b:s9+s2], $0x80, v4, vm0, $0xb8;
	[tilespmem:$0x8080] =	vst v63  }
0x27: {  	v3 =	vperm.xlane v3, v2  }
0x28: {  	[tilespmem:s20], [sflag:$0x1] =	stream.indirect_vreg.gather [hbm4b:s10+s2], $0x80, v4, vm0, $0xb8;
	[tilespmem:$0x8080] =	vst v63  }
0x29: {  	v3 =	vadd.s32 v0, v3  }
0x2a: {  	[tilespmem:s14], [sflag:$0x1] =	stream.indirect_vreg.gather [hbm4b:s11+s2], $0x80, v4, vm0, $0xb8;
	[tilespmem:$0x8080] =	vst v63  }
0x2b: {  	_ = 	snop  }
0x2c: {  	[tilespmem:s15], [sflag:$0x1] =	stream.indirect_vreg.gather [hbm4b:s12+s2], $0x80, v4, vm0, $0xb8;
	[tilespmem:$0x8080] =	vst v63  }
0x2d: {  	_ = 	snop  }
0x2e: {  	[tilespmem:s16], [sflag:$0x1] =	stream.indirect_vreg.gather [hbm4b:s3+s2], $0x80, v3, vm0, $0xb8;
	[tilespmem:$0x8080] =	vst v63  }
0x2f: {  	_ = 	snop  }
0x30: {  	[tilespmem:s17], [sflag:$0x1] =	stream.indirect_vreg.gather [hbm4b:s6+s2], $0x80, v3, vm0, $0xb8;
	[tilespmem:$0x8080] =	vst v63  }
0x31: {  	_ = 	snop  }
0x32: {  	[tilespmem:s18], [sflag:$0x1] =	stream.indirect_vreg.gather [hbm4b:s7+s2], $0x80, v3, vm0, $0xb8;
	[tilespmem:$0x8080] =	vst v63  }
0x33: {  	_ = 	snop  }
0x34: {  	[tilespmem:s19], [sflag:$0x1] =	stream.indirect_vreg.gather [hbm4b:s8+s2], $0x80, v3, vm0, $0xb8;
	[tilespmem:$0x8080] =	vst v63  }
0x35: {  	_ = 	snop  }
0x36: {  	[tilespmem:s25], [sflag:$0x1] =	stream.indirect_vreg.gather [hbm4b:s9+s2], $0x80, v3, vm0, $0xb8;
	[tilespmem:$0x8080] =	vst v63  }
0x37: {  	_ = 	snop  }
0x38: {  	[tilespmem:s26], [sflag:$0x1] =	stream.indirect_vreg.gather [hbm4b:s10+s2], $0x80, v3, vm0, $0xb8;
	[tilespmem:$0x8080] =	vst v63  }
0x39: {  	_ = 	snop  }
0x3a: {  	[tilespmem:s28], [sflag:$0x1] =	stream.indirect_vreg.gather [hbm4b:s11+s2], $0x80, v3, vm0, $0xb8;
	[tilespmem:$0x8080] =	vst v63  }
0x3b: {  	_ = 	snop  }
0x3c: {  	[tilespmem:s30], [sflag:$0x1] =	stream.indirect_vreg.gather [hbm4b:s12+s2], $0x80, v3, vm0, $0xb8;
	[tilespmem:$0x8080] =	vst v63  }
0x3d: {  	p1 =	sne.s32 s31, $0x1;
	_ =	swait.ge [sflag:s29], $0x8000  }
.Ltmp1:
0x3e: {  	[sflag:s29] =	ssyncset.done $0x0;
	(pc) =	sbr.rel @!p1 .LBB2_3-.Ltmp1, $4  }
0x3f: {  	[sflag:s29] =	ssyncadd.s32 $0xFFFF8000  }
0x40: {  	[hbm4b:s5+s2] =	stream.linear.scatter [tilespmem:s13], [sflag:$0x2], $0x8000, $0x38;
	[tilespmem:$0x8080] =	vst v63  }
0x41: {  	s31 =	sadd.s32 $0xFFFFFFFF, s31;
	_ =	swait.ge [sflag:s4], $0x8000  }
0x42: {  	p0 =	por $0x1, $0x1;
	s0 =	rddreg [dreg:$0x4];
	[sflag:s4] =	ssyncset.done $0x0  }
.LBB2_2:
0x43: {  	[sflag:s4] =	ssyncadd.s32 $0xFFFF8000  }
0x44: {  	[tilespmem:s2], [sflag:$0x2] =	stream.linear.gather [hbm4b:s0+s2], $0x10, $0x38;
	[tilespmem:$0x8080] =	vst v63  }
0x45: {  	_ =	swait.ge [sflag:s4], $0x10  }
0x46: {  	[sflag:s4] =	ssyncset.done $0x0  }
0x47: {  	[sflag:s4] =	ssyncadd.s32 $0xFFFFFFF0  }
0x48: {  	v3 =	vld [tilespmem:$0x0];
	_ =	sdelay $0x4  }
0x49: {  	v4 =	vshll.u32 v3, $0x4  }
0x4a: {  	v3 =	vand.u32 $0x7, v3;
	v4 =	vand.u32 $0xFFFFFF80, v4  }
0x4b: {  	v3 =	vor.u32 v3, v4  }
0x4c: {  	v4 =	vperm.xlane v3, v1;
	_ =	sdelay $0x1  }
0x4d: {  	v4 =	vadd.s32 v0, v4;
	_ =	sdelay $0x4  }
0x4e: {  	[tilespmem:s13], [sflag:$0x1] =	stream.indirect_vreg.gather [hbm4b:s3+s2], $0x80, v4, vm0, $0xb8;
	[tilespmem:$0x8080] =	vst v63  }
0x4f: {  	_ = 	snop  }
0x50: {  	[tilespmem:s21], [sflag:$0x1] =	stream.indirect_vreg.gather [hbm4b:s6+s2], $0x80, v4, vm0, $0xb8;
	[tilespmem:$0x8080] =	vst v63  }
0x51: {  	_ = 	snop  }
0x52: {  	[tilespmem:s22], [sflag:$0x1] =	stream.indirect_vreg.gather [hbm4b:s7+s2], $0x80, v4, vm0, $0xb8;
	[tilespmem:$0x8080] =	vst v63  }
0x53: {  	_ = 	snop  }
0x54: {  	[tilespmem:s23], [sflag:$0x1] =	stream.indirect_vreg.gather [hbm4b:s8+s2], $0x80, v4, vm0, $0xb8;
	[tilespmem:$0x8080] =	vst v63  }
0x55: {  	_ = 	snop  }
0x56: {  	[tilespmem:s24], [sflag:$0x1] =	stream.indirect_vreg.gather [hbm4b:s9+s2], $0x80, v4, vm0, $0xb8;
	[tilespmem:$0x8080] =	vst v63  }
0x57: {  	v3 =	vperm.xlane v3, v2  }
0x58: {  	[tilespmem:s20], [sflag:$0x1] =	stream.indirect_vreg.gather [hbm4b:s10+s2], $0x80, v4, vm0, $0xb8;
	[tilespmem:$0x8080] =	vst v63  }
0x59: {  	v3 =	vadd.s32 v0, v3  }
0x5a: {  	[tilespmem:s14], [sflag:$0x1] =	stream.indirect_vreg.gather [hbm4b:s11+s2], $0x80, v4, vm0, $0xb8;
	[tilespmem:$0x8080] =	vst v63  }
0x5b: {  	_ = 	snop  }
0x5c: {  	[tilespmem:s15], [sflag:$0x1] =	stream.indirect_vreg.gather [hbm4b:s12+s2], $0x80, v4, vm0, $0xb8;
	[tilespmem:$0x8080] =	vst v63  }
0x5d: {  	_ = 	snop  }
0x5e: {  	[tilespmem:s16], [sflag:$0x1] =	stream.indirect_vreg.gather [hbm4b:s3+s2], $0x80, v3, vm0, $0xb8;
	[tilespmem:$0x8080] =	vst v63  }
0x5f: {  	_ = 	snop  }
0x60: {  	[tilespmem:s17], [sflag:$0x1] =	stream.indirect_vreg.gather [hbm4b:s6+s2], $0x80, v3, vm0, $0xb8;
	[tilespmem:$0x8080] =	vst v63  }
0x61: {  	_ = 	snop  }
0x62: {  	[tilespmem:s18], [sflag:$0x1] =	stream.indirect_vreg.gather [hbm4b:s7+s2], $0x80, v3, vm0, $0xb8;
	[tilespmem:$0x8080] =	vst v63  }
0x63: {  	_ = 	snop  }
0x64: {  	[tilespmem:s19], [sflag:$0x1] =	stream.indirect_vreg.gather [hbm4b:s8+s2], $0x80, v3, vm0, $0xb8;
	[tilespmem:$0x8080] =	vst v63  }
0x65: {  	_ = 	snop  }
0x66: {  	[tilespmem:s25], [sflag:$0x1] =	stream.indirect_vreg.gather [hbm4b:s9+s2], $0x80, v3, vm0, $0xb8;
	[tilespmem:$0x8080] =	vst v63  }
0x67: {  	_ = 	snop  }
0x68: {  	[tilespmem:s26], [sflag:$0x1] =	stream.indirect_vreg.gather [hbm4b:s10+s2], $0x80, v3, vm0, $0xb8;
	[tilespmem:$0x8080] =	vst v63  }
0x69: {  	_ = 	snop  }
0x6a: {  	[tilespmem:s28], [sflag:$0x1] =	stream.indirect_vreg.gather [hbm4b:s11+s2], $0x80, v3, vm0, $0xb8;
	[tilespmem:$0x8080] =	vst v63  }
0x6b: {  	_ = 	snop  }
0x6c: {  	[tilespmem:s30], [sflag:$0x1] =	stream.indirect_vreg.gather [hbm4b:s12+s2], $0x80, v3, vm0, $0xb8;
	[tilespmem:$0x8080] =	vst v63  }
0x6d: {  	p1 =	sne.s32 s31, $0x1;
	_ =	swait.ge [sflag:s29], $0x8000  }
.Ltmp2:
0x6e: {  	[sflag:s29] =	ssyncset.done $0x0;
	(pc) =	sbr.rel @p1 .LBB2_2-.Ltmp2, $4  }
0x6f: {  	[sflag:s29] =	ssyncadd.s32 $0xFFFF8000  }
0x70: {  	[hbm4b:s5+s2] =	stream.linear.scatter [tilespmem:s13], [sflag:$0x2], $0x8000, $0x38;
	[tilespmem:$0x8080] =	vst v63  }
0x71: {  	_ =	swait.ge [sflag:s4], $0x8000  }
0x72: {  	s31 =	sadd.s32 $0xFFFFFFFF, s31;
	s0 =	rddreg [dreg:$0x4];
	[sflag:s4] =	ssyncset.done $0x0  }
.LBB2_3:
0x73: {  	[sflag:s4] =	ssyncadd.s32 @p0 $0xFFFF8000  }
0x74: {  	[tilespmem:s2], [sflag:$0x2] =	stream.linear.gather [hbm4b:s0+s2], $0x10, $0x38;
	[tilespmem:$0x8080] =	vst v63  }
0x75: {  	_ =	swait.ge [sflag:s4], $0x10  }
0x76: {  	[sflag:s4] =	ssyncset.done $0x0  }
0x77: {  	[sflag:s4] =	ssyncadd.s32 $0xFFFFFFF0  }
0x78: {  	v3 =	vld [tilespmem:$0x0];
	_ =	sdelay $0x4  }
0x79: {  	v4 =	vshll.u32 v3, $0x4  }
0x7a: {  	v3 =	vand.u32 $0x7, v3;
	v4 =	vand.u32 $0xFFFFFF80, v4  }
0x7b: {  	v3 =	vor.u32 v3, v4  }
0x7c: {  	v1 =	vperm.xlane v3, v1;
	_ =	sdelay $0x1  }
0x7d: {  	v1 =	vadd.s32 v0, v1;
	_ =	sdelay $0x4  }
0x7e: {  	[tilespmem:s13], [sflag:$0x1] =	stream.indirect_vreg.gather [hbm4b:s3+s2], $0x80, v1, vm0, $0xb8;
	[tilespmem:$0x8080] =	vst v63  }
0x7f: {  	_ = 	snop  }
0x80: {  	[tilespmem:s21], [sflag:$0x1] =	stream.indirect_vreg.gather [hbm4b:s6+s2], $0x80, v1, vm0, $0xb8;
	[tilespmem:$0x8080] =	vst v63  }
0x81: {  	_ = 	snop  }
0x82: {  	[tilespmem:s22], [sflag:$0x1] =	stream.indirect_vreg.gather [hbm4b:s7+s2], $0x80, v1, vm0, $0xb8;
	[tilespmem:$0x8080] =	vst v63  }
0x83: {  	_ = 	snop  }
0x84: {  	[tilespmem:s23], [sflag:$0x1] =	stream.indirect_vreg.gather [hbm4b:s8+s2], $0x80, v1, vm0, $0xb8;
	[tilespmem:$0x8080] =	vst v63  }
0x85: {  	_ = 	snop  }
0x86: {  	[tilespmem:s24], [sflag:$0x1] =	stream.indirect_vreg.gather [hbm4b:s9+s2], $0x80, v1, vm0, $0xb8;
	[tilespmem:$0x8080] =	vst v63  }
0x87: {  	v2 =	vperm.xlane v3, v2  }
0x88: {  	[tilespmem:s20], [sflag:$0x1] =	stream.indirect_vreg.gather [hbm4b:s10+s2], $0x80, v1, vm0, $0xb8;
	[tilespmem:$0x8080] =	vst v63  }
0x89: {  	v63 =	vadd.s32 v0, v2  }
0x8a: {  	[tilespmem:s14], [sflag:$0x1] =	stream.indirect_vreg.gather [hbm4b:s11+s2], $0x80, v1, vm0, $0xb8;
	[tilespmem:$0x8080] =	vst v63  }
0x8b: {  	_ = 	snop  }
0x8c: {  	[tilespmem:s15], [sflag:$0x1] =	stream.indirect_vreg.gather [hbm4b:s12+s2], $0x80, v1, vm0, $0xb8;
	[tilespmem:$0x8080] =	vst v63  }
0x8d: {  	_ = 	snop  }
0x8e: {  	[tilespmem:s16], [sflag:$0x1] =	stream.indirect_vreg.gather [hbm4b:s3+s2], $0x80, v63, vm0, $0xb8;
	[tilespmem:$0x8080] =	vst v63  }
0x8f: {  	_ = 	snop  }
0x90: {  	[tilespmem:s17], [sflag:$0x1] =	stream.indirect_vreg.gather [hbm4b:s6+s2], $0x80, v63, vm0, $0xb8;
	[tilespmem:$0x8080] =	vst v63  }
0x91: {  	_ = 	snop  }
0x92: {  	[tilespmem:s18], [sflag:$0x1] =	stream.indirect_vreg.gather [hbm4b:s7+s2], $0x80, v63, vm0, $0xb8;
	[tilespmem:$0x8080] =	vst v63  }
0x93: {  	_ = 	snop  }
0x94: {  	[tilespmem:s19], [sflag:$0x1] =	stream.indirect_vreg.gather [hbm4b:s8+s2], $0x80, v63, vm0, $0xb8;
	[tilespmem:$0x8080] =	vst v63  }
0x95: {  	_ = 	snop  }
0x96: {  	[tilespmem:s25], [sflag:$0x1] =	stream.indirect_vreg.gather [hbm4b:s9+s2], $0x80, v63, vm0, $0xb8;
	[tilespmem:$0x8080] =	vst v63  }
0x97: {  	_ = 	snop  }
0x98: {  	[tilespmem:s26], [sflag:$0x1] =	stream.indirect_vreg.gather [hbm4b:s10+s2], $0x80, v63, vm0, $0xb8;
	[tilespmem:$0x8080] =	vst v63  }
0x99: {  	_ = 	snop  }
0x9a: {  	[tilespmem:s28], [sflag:$0x1] =	stream.indirect_vreg.gather [hbm4b:s11+s2], $0x80, v63, vm0, $0xb8;
	[tilespmem:$0x8080] =	vst v63  }
0x9b: {  	_ = 	snop  }
0x9c: {  	[tilespmem:s30], [sflag:$0x1] =	stream.indirect_vreg.gather [hbm4b:s12+s2], $0x80, v63, vm0, $0xb8;
	[tilespmem:$0x8080] =	vst v63  }
0x9d: {  	_ =	swait.ge [sflag:s29], $0x8000  }
0x9e: {  	[sflag:s29] =	ssyncset.done $0x0  }
0x9f: {  	[sflag:s29] =	ssyncadd.s32 $0xFFFF8000  }
0xa0: {  	[hbm4b:s5+s2] =	stream.linear.scatter [tilespmem:s13], [sflag:$0x2], $0x8000, $0x38;
	[tilespmem:$0x8080] =	vst v63  }
0xa1: {  	_ =	swait.ge [sflag:s4], $0x8000  }
0xa2: {  	[sflag:s4] =	ssyncset.done $0x0  }
0xa3: {  	[sflag:s4] =	ssyncadd.s32 $0xFFFF8000  }
0xa4: {  	_ =	sfence.sel $0x180000  }
0xa5: {  	[bflag:$0x0] =	sbarrier.arrive $0xFFFF  }
0xa6: {  	_ =	strace $0x90000047  }
0xa7: {  	[bflag:$0x2] =	sbarrier.arrive $0xFFFF  }
0xa8: {  	p0 =	sne.s32 s1, $0x0;
	s0 =	rddreg [dreg:$0x3]  }
0xa9: {  	s0 =	sadd.s32 @!p0 $0x100000, s0  }
0xaa: {  	[sflag:s0] =	ssyncadd.tile.s32 @!p0 $0x1;
	_ =	shalt  }
.Lfunc_end2:
_tile_overlayer_lowered:
.L_overlay_start_2:
0xab: {  	(tag) =	ssettag $0x2  }
0xac: {  	s0 =	rddreg [dreg:$0x0];
	s2 =	stileid.u32  }
0xad: {  	s1 =	rddreg [dreg:$0x1];
	p0 =	sne.s32 s2, $0x0  }
0xae: {  	s3 =	rddreg [dreg:$0x2];
	[bflag:$0x3] =	sbarrier.arrive $0xFFFF;
	s2 =	simm.s32 @!p0 $0x1C02  }
0xaf: {  	[timem:s3], [sflag:s2] =	dma.local @!p0 [hbm:s0], s1  }
0xb0: {  	s0 =	simm.s32 @!p0 $0x2  }
0xb1: {  	_ =	swait.ge @!p0 [sflag:s0], s1  }
0xb2: {  	s1 =	ssub.s32 @!p0 $0x0, s1;
	[sflag:s0] =	ssyncset.done @!p0 $0x0  }
0xb3: {  	[sflag:s0] =	ssyncadd.s32 @!p0 s1  }
0xb4: {  	[bflag:$0x3] =	sbarrier.arrive $0xFFFF  }
0xb5: {  	_ =	shalt  }

// kernel: kernel.9.cloned.1.call-start
scs
__scs_entry_jumppad:
0x0: {  	(pc) =	sbr.rel $0x88, $3  }
0x1: {  	(tag) =	ssettag $0x0;
	lr =	simm.s32 $0x1  }
0x2: {  	[smem:$0x3F9C] =	sst lr;
	_ =	strace $0xD0000000  }
0x3: {  	_ = 	snop  }
0x4: {  	_ = 	snop  }
0x5: {  	_ = 	snop  }
0x6: {  	_ = 	snop  }
0x7: {  	_ = 	snop  }
__scs_overlays_trampoline_lowered:
0x8: {  	[smem:$0x3FAB] =	sst s0  }
0x9: {  	[smem:$0x3FAC] =	sst s1  }
0xa: {  	[smem:$0x3FAD] =	sst s2  }
0xb: {  	[smem:$0x3FAE] =	sst s3  }
0xc: {  	[smem:$0x3FAF] =	sst s4  }
0xd: {  	[smem:$0x3FB0] =	sst s5  }
0xe: {  	[smem:$0x3FB1] =	sst s6  }
0xf: {  	[smem:$0x3FB2] =	sst s7  }
0x10: {  	[smem:$0x3FB3] =	sst s8  }
0x11: {  	[smem:$0x3FB4] =	sst s9;
	s0 =	simm.s32 @!p0 $0x0  }
0x12: {  	s1 =	sld [smem:$0x3F9A];
	s0 =	simm.s32 @p0 $0x1  }
0x13: {  	[smem:$0x3FB5] =	sst s0;
	s0 =	simm.s32 @!p1 $0x0  }
0x14: {  	s2 =	sld [smem:$0x3F99];
	s0 =	simm.s32 @p1 $0x1  }
0x15: {  	[smem:$0x3FB6] =	sst s0;
	s0 =	simm.s32 @!p2 $0x0  }
0x16: {  	s3 =	sld [smem:$0x3FDB];
	s0 =	simm.s32 @p2 $0x1  }
0x17: {  	s4 =	simm.s32 $0x1BF5;
	[smem:$0x3FB8] =	sst s0  }
0x18: {  	s0 =	sld [smem:$0x3F9B];
	_ =	swait.ge [sflag:s4], $0x0  }
0x19: {  	s7 =	sld [smem:$0x3F9C]  }
0x1a: {  	s8 =	sadd.s32 $0xFFFFE003, lr  }
0x1b: {  	s9 =	sadd.s32 $0xFFFFFEF7, lr;
	s5 =	simm.s32 $0xFFFFFFFF;
	p2 =	slt.u32 s8, $0xFFFFF086  }
0x1c: {  	p1 =	slt.u32 s9, $0xF7A;
	s5 =	simm.s32 @!p2 $0x0  }
0x1d: {  	s5 =	simm.s32 @p1 $0x1;
	p0 =	seq.s32 s7, s2  }
0x1e: {  	s7 =	smul.u32 @!p0 $0xF7A, s2;
	p2 =	seq.s32 @!p0 s5, $0x0  }
0x1f: {  	s9 =	smul.u32 $0xF7A, s1;
	s8 =	simm.s32 @!p0 $0x1BF5;
	p2 =	por !p2, p0  }
0x20: {  	[sflag:s8] =	ssyncset.s32 @!p0 $0xFFFFF086;
	s6 =	sadd.s32 @!p0 s3, s7;
	s7 =	simm.s32 @!p0 $0x108  }
0x21: {  	s3 =	sadd.s32 s3, s9;
	s6 =	sadd.s32 @!p0 $0x88, s6;
	s7 =	simm.s32 @p2 $0x1082  }
0x22: {  	[simem:s7], [sflag:s8] =	dma.local @!p0 [hbm:s6], $0xF7A  }
0x23: {  	s9 =	sor.u32 $0xD0000000, s2;
	s6 =	simm.s32 $0x108;
	_ =	swait.ge @!p0 [sflag:s8], $0x0  }
0x24: {  	s3 =	sadd.s32 $0x88, s3;
	s6 =	simm.s32 @!p1 $0x1082;
	[sflag:s4] =	ssyncset.s32 $0xFFFFF086  }
0x25: {  	[simem:s6], [sflag:s4] =	dma.local [hbm:s3], $0xF7A  }
0x26: {  	[smem:$0x3F9C] =	sst s1;
	(tag) =	ssettag s2;
	_ =	strace s9  }
0x27: {  	s1 =	sld [smem:$0x3FAC]  }
0x28: {  	s2 =	sld [smem:$0x3FAD]  }
0x29: {  	s4 =	sld [smem:$0x3FAF]  }
0x2a: {  	p0 =	seq.s32 s5, $0x0;
	s5 =	sld [smem:$0x3FB0]  }
0x2b: {  	s6 =	sld [smem:$0x3FB1]  }
0x2c: {  	s7 =	sld [smem:$0x3FB2]  }
0x2d: {  	s3 =	simm.s32 $0x108;
	s8 =	sld [smem:$0x3FB3]  }
0x2e: {  	s3 =	simm.s32 @!p0 $0x1082;
	s9 =	sld [smem:$0x3FB4]  }
0x2f: {  	lr =	sadd.s32 s0, s3;
	s0 =	sld [smem:$0x3FAB]  }
0x30: {  	s3 =	sld [smem:$0x3FAE]  }
0x31: {  	[smem:$0x3FB7] =	sst s10  }
0x32: {  	s10 =	sld [smem:$0x3FB5];
	_ =	sdelay $0x3  }
0x33: {  	p0 =	seq.s32 s10, $0x1;
	s10 =	sld [smem:$0x3FB7];
	_ =	sdelay $0x3  }
0x34: {  	[smem:$0x3FB7] =	sst s10  }
0x35: {  	s10 =	sld [smem:$0x3FB6];
	_ =	sdelay $0x3  }
0x36: {  	p1 =	seq.s32 s10, $0x1;
	s10 =	sld [smem:$0x3FB7];
	_ =	sdelay $0x3  }
0x37: {  	[smem:$0x3FB7] =	sst s10  }
0x38: {  	s10 =	sld [smem:$0x3FB8]  }
0x39: {  	_ = 	snop;
	(pc) =	sbr.ind lr, $3  }
0x3a: {  	_ = 	snop  }
0x3b: {  	_ = 	snop  }
0x3c: {  	p2 =	seq.s32 s10, $0x1;
	s10 =	sld [smem:$0x3FB7]  }
0x3d: {  	_ =	shalt  }
0x3e: {  	_ =	shalt  }
0x3f: {  	_ =	shalt  }
0x40: {  	_ =	shalt  }
0x41: {  	_ =	shalt  }
0x42: {  	_ =	shalt  }
0x43: {  	_ =	shalt  }
0x44: {  	_ =	shalt  }
0x45: {  	_ =	shalt  }
0x46: {  	_ =	shalt  }
0x47: {  	_ =	shalt  }
0x48: {  	_ =	shalt  }
0x49: {  	_ =	shalt  }
0x4a: {  	_ =	shalt  }
0x4b: {  	_ =	shalt  }
0x4c: {  	_ =	shalt  }
0x4d: {  	_ =	shalt  }
0x4e: {  	_ =	shalt  }
0x4f: {  	_ =	shalt  }
0x50: {  	_ =	shalt  }
0x51: {  	_ =	shalt  }
0x52: {  	_ =	shalt  }
0x53: {  	_ =	shalt  }
0x54: {  	_ =	shalt  }
0x55: {  	_ =	shalt  }
0x56: {  	_ =	shalt  }
0x57: {  	_ =	shalt  }
0x58: {  	_ =	shalt  }
0x59: {  	_ =	shalt  }
0x5a: {  	_ =	shalt  }
0x5b: {  	_ =	shalt  }
0x5c: {  	_ =	shalt  }
0x5d: {  	_ =	shalt  }
0x5e: {  	_ =	shalt  }
0x5f: {  	_ =	shalt  }
0x60: {  	_ =	shalt  }
0x61: {  	_ =	shalt  }
0x62: {  	_ =	shalt  }
0x63: {  	_ =	shalt  }
0x64: {  	_ =	shalt  }
0x65: {  	_ =	shalt  }
0x66: {  	_ =	shalt  }
0x67: {  	_ =	shalt  }
0x68: {  	_ =	shalt  }
0x69: {  	_ =	shalt  }
0x6a: {  	_ =	shalt  }
0x6b: {  	_ =	shalt  }
0x6c: {  	_ =	shalt  }
0x6d: {  	_ =	shalt  }
0x6e: {  	_ =	shalt  }
0x6f: {  	_ =	shalt  }
0x70: {  	_ =	shalt  }
0x71: {  	_ =	shalt  }
0x72: {  	_ =	shalt  }
0x73: {  	_ =	shalt  }
0x74: {  	_ =	shalt  }
0x75: {  	_ =	shalt  }
0x76: {  	_ =	shalt  }
0x77: {  	_ =	shalt  }
0x78: {  	_ =	shalt  }
0x79: {  	_ =	shalt  }
0x7a: {  	_ =	shalt  }
0x7b: {  	_ =	shalt  }
0x7c: {  	_ =	shalt  }
0x7d: {  	_ =	shalt  }
0x7e: {  	_ =	shalt  }
0x7f: {  	_ =	shalt  }
0x80: {  	_ =	shalt  }
0x81: {  	_ =	shalt  }
0x82: {  	_ =	shalt  }
0x83: {  	_ =	shalt  }
0x84: {  	_ =	shalt  }
0x85: {  	_ =	shalt  }
0x86: {  	_ =	shalt  }
0x87: {  	_ =	shalt  }
.Lfunc_end0:
.L_simem_size_0:
called_computation.1_lowered:
.L_overlay_start_0:
0x88: {  	s2 =	sld [smem:$0x3FD9]  }
0x89: {  	s3 =	sld [smem:$0x3FFE];
	_ =	sdelay $0x1  }
0x8a: {  	s1 =	srdreg.scid  }
0x8b: {  	s0 =	sand.u32 $0x1, s1  }
0x8c: {  	s14 =	sshll.u32 s0, $0xA;
	s2 =	sadd.s32 s3, s2  }
0x8d: {  	s2 =	sadd.s32 s2, s14  }
0x8e: {  	[smem:$0x3FC3] =	sst s2  }
0x8f: {  	_ = 	snop  }
0x90: {  	s2 =	sld [smem:$0x3FD0];
	_ =	sdelay $0x2  }
0x91: {  	s15 =	simm.s32 $0xA;
	s4 =	simm.s32 $0x10  }
0x92: {  	[smem:s4], [sflag:s15] =	dma.local [hbm:s2], $0x1  }
0x93: {  	_ =	swait.eq [sflag:s15], $0x1  }
0x94: {  	[sflag:s15] =	ssyncset.done $0x0  }
0x95: {  	[sflag:s15] =	ssyncadd.s32 $0xFFFFFFFF  }
0x96: {  	s16 =	sld [smem:$0x10];
	(tm) =	ssettm $0x1  }
0x97: {  	s17 =	sld [smem:$0x3FFB];
	_ =	sdelay $0x3  }
0x98: {  	_ =	strace s17  }
0x99: {  	s3 =	sld [smem:$0x3FFC];
	_ =	sdelay $0x3  }
0x9a: {  	_ =	strace s3  }
0x9b: {  	s3 =	sld [smem:$0x3FFD];
	_ =	sdelay $0x3  }
0x9c: {  	_ =	strace s3  }
0x9d: {  	_ =	strace $0x8FFFFFFF  }
0x9e: {  	s18 =	sld [smem:$0x3FDB];
	_ =	sdelay $0x1  }
0x9f: {  	s19 =	simm.s32 $_scs_section_size  }
0xa0: {  	s5 =	simm.s32 $_size__tile_overlayer_lowered;
	s6 =	simm.s32 $_tile_overlayer_lowered  }
0xa1: {  	s22 =	simm.s32 $0x1BFF;
	s21 =	sshll.u32 s6, $0x1;
	s3 =	sadd.s32 s19, s18  }
0xa2: {  	s7 =	simm.s32 $0x0;
	s20 =	sshll.u32 s5, $0x1;
	s5 =	sadd.s32 s21, s3  }
0xa3: {  	[timem:s7], [sflag:s22] =	dma.local [hbm:s5], s20  }
0xa4: {  	_ =	swait.ge [sflag:s22], s20  }
0xa5: {  	s4 =	ssub.s32 $0x0, s20;
	[sflag:s22] =	ssyncset.done $0x0  }
0xa6: {  	[sflag:s22] =	ssyncadd.s32 s4;
	_ =	sdelay $0x1  }
0xa7: {  	s23 =	simm.s32 $0x1B8B  }
0xa8: {  	_ =	swait.ge [sflag:s23], $0x1  }
0xa9: {  	[sflag:s23] =	ssyncset.done $0x0  }
0xaa: {  	s25 =	simm.s32 $0x1B8E;
	s24 =	sld [smem:$0x3FFE];
	[sflag:s23] =	ssyncadd.s32 $0xFFFFFFFF  }
0xab: {  	s26 =	simm.s32 $execute0_lowered;
	[smem:$0x3FD2] =	sst s25  }
0xac: {  	s5 =	sshll.u32 s26, $0x1;
	_ =	strace $0x80000049;
	[dreg:$0x1] =	wrdreg $0xFFFFFFFF  }
0xad: {  	s28 =	simm.s32 $_size_execute0_lowered;
	s3 =	sadd.s32 s3, s5;
	[dreg:$0x0] =	wrdreg $0x0  }
0xae: {  	s5 =	sshll.u32 s28, $0x1;
	[dreg:$0x2] =	wrdreg s3  }
0xaf: {  	[dreg:$0x3] =	wrdreg s5  }
0xb0: {  	[dreg:$0x4] =	wrdreg $0xC0  }
0xb1: {  	_ =	task [dreg:s7], $0x5FFFF  }
0xb2: {  	[dreg:$0x1] =	wrdreg $0xFFFFFFFF  }
0xb3: {  	[dreg:$0x0] =	wrdreg $0x60  }
0xb4: {  	[dreg:$0x2] =	wrdreg s24  }
0xb5: {  	[dreg:$0x3] =	wrdreg s16  }
0xb6: {  	[dreg:$0x4] =	wrdreg $0x9  }
0xb7: {  	_ =	task.clear_ibuf [dreg:s7], $0x5FFFF;
	_ =	strace $0x90000049  }
0xb8: {  	s29 =	simm.s32 $0x9;
	_ =	strace $0x8000004B  }
0xb9: {  	_ =	swait.ge [sflag:s29], $0x1  }
0xba: {  	[sflag:s29] =	ssyncadd.s32 $0xFFFFFFFF  }
0xbb: {  	_ =	strace $0x9000004B  }
0xbc: {  	_ =	sfence  }
0xbd: {  	s30 =	sld [smem:$0x0];
	_ =	sdelay $0x2  }
0xbe: {  	s31 =	sshll.u32 s1, $0xD;
	s1 =	sshrl.u32 s1, $0x2  }
0xbf: {  	s3 =	sand.u32 $0x4000, s31;
	s1 =	sadd.s32 s1, s30  }
0xc0: {  	s0 =	sor.u32 s3, s0;
	s1 =	sshll.u32 s1, $0x11  }
0xc1: {  	s0 =	sor.u32 s1, s0  }
0xc2: {  	s0 =	sadd.s32 $0x8F2B, s0  }
0xc3: {  	[sflag:s0] =	ssyncadd.remote.s32 $0x1  }
0xc4: {  	_ =	sfence.sel $0xFFFF  }
0xc5: {  	[dreg:$0x0] =	wrdreg $0xFFFFFFFF;
	(pc) =	sbr.abs _section_cstart, $3  }
0xc6: {  	[dreg:$0x1] =	wrdreg $0xFFFFFFFF  }
0xc7: {  	_ =	task.clear_ibuf [dreg:s7], $0x2FFFF;
	_ =	strace $0x9FFFFFFF  }
0xc8: {  	(tm) =	ssettm $0x7FFFFFFF  }
0xc9: {  	_ =	shalt  }
tec
execute0_lowered:
.L_overlay_start_1:
0x0: {  	(tag) =	ssettag $0x1  }
0x1: {  	s1 =	srdreg.scid  }
0x2: {  	s0 =	stileid.u32;
	s17 =	sand.u32 $0x1, s1  }
0x3: {  	s19 =	rddreg [dreg:$0x0];
	s30 =	sshll.u32 s0, $0x4;
	s2 =	sshll.u32 s17, $0x3  }
0x4: {  	s22 =	rddreg [dreg:$0x1];
	s23 =	sor.u32 s2, s30  }
0x5: {  	s1 =	rddreg [dreg:$0x2];
	s2 =	simm.s32 $0x0;
	s3 =	sshrl.u32 s23, $0x3  }
0x6: {  	[smem:$0x7FF] =	sst s2;
	s3 =	sadd.s32 s3, s19  }
0x7: {  	_ =	strace $0x8000004A;
	s4 =	sadd.s32 $0x1A00, s3;
	s3 =	simm.s32 $0x2  }
0x8: {  	[tilespmem:s2], [sflag:$0x2] =	stream.linear.gather [hbm4b:s4+s2], $0x8, $0x38;
	[tilespmem:$0x4080] =	vst v63  }
0x9: {  	_ =	swait.ge [sflag:s3], $0x8  }
0xa: {  	[sflag:s3] =	ssyncset.done $0x0  }
0xb: {  	[sflag:s3] =	ssyncadd.s32 $0xFFFFFFF8  }
0xc: {  	v0 =	vld.msk [tilespmem:$0x0], $0xff;
	_ =	sdelay $0x4  }
0xd: {  	v1 =	vshll.u32 v0, $0x4  }
0xe: {  	v2 =	vlaneseq.u32;
	v3 =	vand.u32 $0x7, v0;
	v1 =	vand.u32 $0xFFFFFF80, v1  }
0xf: {  	v0 =	vand.u32 $0x7, v2;
	v2 =	vshrl.u32 v2, $0x3;
	v3 =	vor.u32 v3, v1  }
0x10: {  	v1 =	vmul.u32 $0x8, v2;
	v2 =	vperm.xlane v3, v0;
	_ =	sdelay $0x1  }
0x11: {  	v2 =	vadd.s32 v1, v2;
	_ =	sdelay $0x3  }
0x12: {  	vm0 =	vmmov $0xffff;
	s6 =	simm.s32 $0x80;
	s5 =	sadd.s32 $0x1C00, s19  }
0x13: {  	[tilespmem:s6], [sflag:$0x1] =	stream.indirect_vreg.gather [hbm4b:s5+s2], $0x80, v2, vm0, $0xb8;
	[tilespmem:$0x4080] =	vst v63  }
0x14: {  	s8 =	simm.s32 $0x880;
	s7 =	sadd.s32 $0x1D00, s19  }
0x15: {  	[tilespmem:s8], [sflag:$0x1] =	stream.indirect_vreg.gather [hbm4b:s7+s2], $0x80, v2, vm0, $0xb8;
	[tilespmem:$0x4080] =	vst v63  }
0x16: {  	s10 =	simm.s32 $0x1080;
	s9 =	sadd.s32 $0x1E00, s19  }
0x17: {  	[tilespmem:s10], [sflag:$0x1] =	stream.indirect_vreg.gather [hbm4b:s9+s2], $0x80, v2, vm0, $0xb8;
	[tilespmem:$0x4080] =	vst v63  }
0x18: {  	s12 =	simm.s32 $0x1880;
	s14 =	simm.s32 $0x2080;
	s11 =	sadd.s32 $0x1F00, s19  }
0x19: {  	[tilespmem:s12], [sflag:$0x1] =	stream.indirect_vreg.gather [hbm4b:s11+s2], $0x80, v2, vm0, $0xb8;
	[tilespmem:$0x4080] =	vst v63  }
0x1a: {  	s16 =	simm.s32 $0x2880;
	s13 =	sadd.s32 $0x2000, s19;
	s24 =	ssub.s32 $0x2, s17  }
0x1b: {  	[tilespmem:s14], [sflag:$0x1] =	stream.indirect_vreg.gather [hbm4b:s13+s2], $0x80, v2, vm0, $0xb8;
	[tilespmem:$0x4080] =	vst v63  }
0x1c: {  	s18 =	simm.s32 $0x3080;
	s15 =	sadd.s32 $0x2100, s19;
	s25 =	sshrl.u32 s24, $0x1  }
0x1d: {  	[tilespmem:s16], [sflag:$0x1] =	stream.indirect_vreg.gather [hbm4b:s15+s2], $0x80, v2, vm0, $0xb8;
	[tilespmem:$0x4080] =	vst v63  }
0x1e: {  	s20 =	simm.s32 $0x3880;
	s17 =	sadd.s32 $0x2200, s19;
	s24 =	ssub.s32 s24, s25  }
0x1f: {  	[tilespmem:s18], [sflag:$0x1] =	stream.indirect_vreg.gather [hbm4b:s17+s2], $0x80, v2, vm0, $0xb8;
	[tilespmem:$0x4080] =	vst v63  }
0x20: {  	s21 =	simm.s32 $0x1;
	s19 =	sadd.s32 $0x2300, s19;
	s31 =	smax.u32 s24, $0x1  }
0x21: {  	[tilespmem:s20], [sflag:$0x1] =	stream.indirect_vreg.gather [hbm4b:s19+s2], $0x80, v2, vm0, $0xb8;
	[tilespmem:$0x4080] =	vst v63  }
0x22: {  	p0 =	sne.s32 s31, $0x1;
	_ =	swait.ge [sflag:s21], $0x4000  }
.Ltmp0:
0x23: {  	s23 =	sshll.u32 s23, $0x8;
	[sflag:s21] =	ssyncset.done $0x0;
	(pc) =	sbr.rel @!p0 .LBB2_2-.Ltmp0, $4  }
0x24: {  	s22 =	sadd.s32 s22, s23;
	[sflag:s21] =	ssyncadd.s32 $0xFFFFC000  }
0x25: {  	[hbm4b:s22+s2] =	stream.linear.scatter [tilespmem:s6], [sflag:$0x2], $0x4000, $0x38;
	[tilespmem:$0x4080] =	vst v63  }
0x26: {  	_ =	swait.ge [sflag:s3], $0x4000  }
0x27: {  	s23 =	sadd.s32 $0xFFFFFFFF, s31;
	[sflag:s3] =	ssyncset.done $0x0  }
.LBB2_1:
0x28: {  	p0 =	sne.s32 s23, $0x1;
	s23 =	sadd.s32 $0xFFFFFFFF, s23;
	[sflag:s3] =	ssyncadd.s32 $0xFFFFC000  }
0x29: {  	[tilespmem:s2], [sflag:$0x2] =	stream.linear.gather [hbm4b:s4+s2], $0x8, $0x38;
	[tilespmem:$0x4080] =	vst v63  }
0x2a: {  	_ =	swait.ge [sflag:s3], $0x8  }
0x2b: {  	[sflag:s3] =	ssyncset.done $0x0  }
0x2c: {  	[sflag:s3] =	ssyncadd.s32 $0xFFFFFFF8  }
0x2d: {  	v2 =	vld.msk [tilespmem:$0x0], $0xff;
	_ =	sdelay $0x4  }
0x2e: {  	v3 =	vshll.u32 v2, $0x4  }
0x2f: {  	v2 =	vand.u32 $0x7, v2;
	v3 =	vand.u32 $0xFFFFFF80, v3  }
0x30: {  	v2 =	vor.u32 v2, v3  }
0x31: {  	v2 =	vperm.xlane v2, v0;
	_ =	sdelay $0x1  }
0x32: {  	v2 =	vadd.s32 v1, v2;
	_ =	sdelay $0x4  }
0x33: {  	[tilespmem:s6], [sflag:$0x1] =	stream.indirect_vreg.gather [hbm4b:s5+s2], $0x80, v2, vm0, $0xb8;
	[tilespmem:$0x4080] =	vst v63  }
0x34: {  	_ = 	snop  }
0x35: {  	[tilespmem:s8], [sflag:$0x1] =	stream.indirect_vreg.gather [hbm4b:s7+s2], $0x80, v2, vm0, $0xb8;
	[tilespmem:$0x4080] =	vst v63  }
0x36: {  	_ = 	snop  }
0x37: {  	[tilespmem:s10], [sflag:$0x1] =	stream.indirect_vreg.gather [hbm4b:s9+s2], $0x80, v2, vm0, $0xb8;
	[tilespmem:$0x4080] =	vst v63  }
0x38: {  	_ = 	snop  }
0x39: {  	[tilespmem:s12], [sflag:$0x1] =	stream.indirect_vreg.gather [hbm4b:s11+s2], $0x80, v2, vm0, $0xb8;
	[tilespmem:$0x4080] =	vst v63  }
0x3a: {  	_ = 	snop  }
0x3b: {  	[tilespmem:s14], [sflag:$0x1] =	stream.indirect_vreg.gather [hbm4b:s13+s2], $0x80, v2, vm0, $0xb8;
	[tilespmem:$0x4080] =	vst v63  }
0x3c: {  	_ = 	snop  }
0x3d: {  	[tilespmem:s16], [sflag:$0x1] =	stream.indirect_vreg.gather [hbm4b:s15+s2], $0x80, v2, vm0, $0xb8;
	[tilespmem:$0x4080] =	vst v63  }
0x3e: {  	_ = 	snop  }
0x3f: {  	[tilespmem:s18], [sflag:$0x1] =	stream.indirect_vreg.gather [hbm4b:s17+s2], $0x80, v2, vm0, $0xb8;
	[tilespmem:$0x4080] =	vst v63  }
0x40: {  	_ = 	snop  }
0x41: {  	[tilespmem:s20], [sflag:$0x1] =	stream.indirect_vreg.gather [hbm4b:s19+s2], $0x80, v2, vm0, $0xb8;
	[tilespmem:$0x4080] =	vst v63  }
0x42: {  	_ =	swait.ge [sflag:s21], $0x4000  }
.Ltmp1:
0x43: {  	[sflag:s21] =	ssyncset.done $0x0;
	(pc) =	sbr.rel @p0 .LBB2_1-.Ltmp1, $4  }
0x44: {  	[sflag:s21] =	ssyncadd.s32 $0xFFFFC000  }
0x45: {  	[hbm4b:s22+s2] =	stream.linear.scatter [tilespmem:s6], [sflag:$0x2], $0x4000, $0x38;
	[tilespmem:$0x4080] =	vst v63  }
0x46: {  	_ =	swait.ge [sflag:s3], $0x4000  }
0x47: {  	[sflag:s3] =	ssyncset.done $0x0  }
.LBB2_2:
0x48: {  	[sflag:s3] =	ssyncadd.s32 $0xFFFFC000  }
0x49: {  	_ =	sfence.sel $0x180000  }
0x4a: {  	[bflag:$0x0] =	sbarrier.arrive $0xFFFF  }
0x4b: {  	p0 =	sne.s32 s0, $0x0;
	_ =	strace $0x9000004A  }
0x4c: {  	s0 =	sadd.s32 @!p0 $0x100000, s1;
	[bflag:$0x2] =	sbarrier.arrive $0xFFFF  }
0x4d: {  	[sflag:s0] =	ssyncadd.tile.s32 @!p0 $0x1;
	_ =	shalt  }
.Lfunc_end2:
_tile_overlayer_lowered:
.L_overlay_start_2:
0x4e: {  	(tag) =	ssettag $0x2  }
0x4f: {  	s0 =	rddreg [dreg:$0x0];
	s2 =	stileid.u32  }
0x50: {  	s1 =	rddreg [dreg:$0x1];
	p0 =	sne.s32 s2, $0x0  }
0x51: {  	s3 =	rddreg [dreg:$0x2];
	[bflag:$0x3] =	sbarrier.arrive $0xFFFF;
	s2 =	simm.s32 @!p0 $0x1C02  }
0x52: {  	[timem:s3], [sflag:s2] =	dma.local @!p0 [hbm:s0], s1  }
0x53: {  	s0 =	simm.s32 @!p0 $0x2  }
0x54: {  	_ =	swait.ge @!p0 [sflag:s0], s1  }
0x55: {  	s1 =	ssub.s32 @!p0 $0x0, s1;
	[sflag:s0] =	ssyncset.done @!p0 $0x0  }
0x56: {  	[sflag:s0] =	ssyncadd.s32 @!p0 s1  }
0x57: {  	[bflag:$0x3] =	sbarrier.arrive $0xFFFF  }
0x58: {  	_ =	shalt  }

</sc_bundles>
